<compile_context>
chip_gen: v7x
topology: tpu7x:2x2x1
jax: 0.10.2.dev20260603
libtpu: 0.0.44.dev20260713+nightly
codegen_flags: <defaults>
</compile_context>

<pallas_src>
import functools

import jax
import jax.numpy as jnp
from jax import lax
from jax.experimental import pallas as pl
from jax.experimental.pallas import tpu as pltpu
from jax.experimental.pallas import tpu_sc as plsc

VOCAB = 100000
EMBED_DIM = 128
HIDDEN = 128
NUM_CLASSES = 2
BATCH = 4096
SEQ = 200
SEQ_PAD = 208
HALF = SEQ_PAD // 2

NUM_CORES = 2
NUM_SUBCORES = 16
NUM_WORKERS = NUM_CORES * NUM_SUBCORES
ROWS_PER_WORKER = BATCH // NUM_WORKERS
ROWS_PER_CORE = BATCH // NUM_CORES
CHUNKS = ROWS_PER_WORKER * 2

NBUF = 4
NCOL = EMBED_DIM // 16


def _sc_pool_body(xg_hbm, table_hbm, out_hbm,
                  idx_v, b0, b1, b2, b3, out_v, gsem):
    c = lax.axis_index("c")
    s = lax.axis_index("s")
    bufs = (b0, b1, b2, b3)
    wid = c * NUM_SUBCORES + s
    chunk0 = wid * CHUNKS

    pltpu.sync_copy(xg_hbm.at[pl.ds(chunk0, CHUNKS)], idx_v)

    def gather(g, buf):
        pltpu.async_copy(table_hbm.at[idx_v.at[g]], buf, gsem)

    def gwait(g, buf):
        pltpu.make_async_copy(table_hbm.at[idx_v.at[g]], buf, gsem).wait()

    def chunk_sum(buf, accs):
        def body(r, a):
            return tuple(a[ci] + buf[r, pl.ds(ci * 16, 16)]
                         for ci in range(NCOL))
        return lax.fori_loop(0, HALF, body, accs)

    for b in range(NBUF):
        gather(jnp.int32(b), bufs[b])

    zero8 = tuple(jnp.zeros((16,), jnp.float32) for _ in range(NCOL))

    def outer(k, carry):
        g0 = k * NBUF
        for half_pair in range(2):
            row = k * 2 + half_pair
            accs = zero8
            for h in range(2):
                b = half_pair * 2 + h
                g = g0 + b
                gwait(g, bufs[b])
                accs = chunk_sum(bufs[b], accs)

                @pl.when(g + NBUF < CHUNKS)
                def _():
                    gather(g + NBUF, bufs[b])
            for ci in range(NCOL):
                out_v[row, pl.ds(ci * 16, 16)] = accs[ci]
        return carry

    lax.fori_loop(0, CHUNKS // NBUF, outer, 0)

    pltpu.sync_copy(out_v,
                    out_hbm.at[pl.ds(c * ROWS_PER_CORE + s * ROWS_PER_WORKER,
                                     ROWS_PER_WORKER)])


@jax.jit
def _sc_pool(xg, table):
    mesh = plsc.VectorSubcoreMesh(core_axis_name="c", subcore_axis_name="s")
    f = functools.partial(
        pl.kernel, mesh=mesh,
        out_type=jax.ShapeDtypeStruct((BATCH, EMBED_DIM), jnp.float32),
        scratch_types=[
            pltpu.VMEM((CHUNKS, HALF), jnp.int32),
            pltpu.VMEM((HALF, EMBED_DIM), jnp.float32),
            pltpu.VMEM((HALF, EMBED_DIM), jnp.float32),
            pltpu.VMEM((HALF, EMBED_DIM), jnp.float32),
            pltpu.VMEM((HALF, EMBED_DIM), jnp.float32),
            pltpu.VMEM((ROWS_PER_WORKER, EMBED_DIM), jnp.float32),
            pltpu.SemaphoreType.DMA,
        ],
    )(_sc_pool_body)
    return f(xg, table)


def _mlp_body(acc_ref, mask_ref, row0_ref, w1t_ref, b1_ref, g_ref, bt_ref,
              w2t_ref, b2_ref, out_ref):
    acc = acc_ref[...]
    maskf = mask_ref[...].astype(jnp.float32)
    valid = SEQ - jnp.sum(maskf, axis=1, keepdims=True)
    sentinel_cnt = SEQ_PAD - valid
    lengths = jnp.maximum(valid, 1.0)
    sv = (acc - sentinel_cnt * row0_ref[...]) / lengths
    h = jnp.dot(sv, w1t_ref[...], preferred_element_type=jnp.float32)
    h = h + b1_ref[...]
    mu = jnp.mean(h, axis=-1, keepdims=True)
    var = jnp.mean(jnp.square(h), axis=-1, keepdims=True) - jnp.square(mu)
    hn = (h - mu) * jax.lax.rsqrt(var + 1e-5) * g_ref[...] + bt_ref[...]
    hr = jnp.maximum(hn, 0.0)
    out_ref[...] = jnp.dot(hr, w2t_ref[...],
                           preferred_element_type=jnp.float32) + b2_ref[...]


@jax.jit
def _tc_mlp(acc, mask, row0, w1t, b1, gamma, beta, w2t_pad, b2_pad):
    bm = 512
    grid = (BATCH // bm,)
    return pl.pallas_call(
        _mlp_body,
        grid=grid,
        in_specs=[
            pl.BlockSpec((bm, EMBED_DIM), lambda i: (i, 0)),
            pl.BlockSpec((bm, SEQ), lambda i: (i, 0)),
            pl.BlockSpec((1, EMBED_DIM), lambda i: (0, 0)),
            pl.BlockSpec((EMBED_DIM, HIDDEN), lambda i: (0, 0)),
            pl.BlockSpec((1, HIDDEN), lambda i: (0, 0)),
            pl.BlockSpec((1, HIDDEN), lambda i: (0, 0)),
            pl.BlockSpec((1, HIDDEN), lambda i: (0, 0)),
            pl.BlockSpec((HIDDEN, HIDDEN), lambda i: (0, 0)),
            pl.BlockSpec((1, HIDDEN), lambda i: (0, 0)),
        ],
        out_specs=pl.BlockSpec((bm, HIDDEN), lambda i: (i, 0)),
        out_shape=jax.ShapeDtypeStruct((BATCH, HIDDEN), jnp.float32),
    )(acc, mask, row0, w1t, b1, gamma, beta, w2t_pad, b2_pad)


def kernel(x, mask, table, W1, b1, gamma, beta, W2, b2):
    x = x.astype(jnp.int32)
    safe_x = jnp.where(mask, 0, x)
    xg = jnp.pad(safe_x, ((0, 0), (0, SEQ_PAD - SEQ))).reshape(
        BATCH * 2, HALF)
    acc = _sc_pool(xg, table)

    row0 = table[0].reshape(1, EMBED_DIM)
    w1t = W1.T
    w2t_pad = jnp.zeros((HIDDEN, HIDDEN), jnp.float32).at[:, :NUM_CLASSES].set(W2.T)
    b2_pad = jnp.zeros((1, HIDDEN), jnp.float32).at[:, :NUM_CLASSES].set(b2)
    out = _tc_mlp(acc, mask, row0, w1t, b1.reshape(1, -1),
                  gamma.reshape(1, -1), beta.reshape(1, -1), w2t_pad, b2_pad)
    return out[:, :NUM_CLASSES]

# --- scband reference (transcript-rebuilt; emitter-appended) ---
"""Pipeline reference for scband-baseline-halmean-pooling-82703890252219 (READ-ONLY COPY).

The authoritative reference and input builder live on the scoring server;
editing this copy changes nothing except your own understanding.
"""

import jax, jax.numpy as jnp
import numpy as np

VOCAB = 100000
EMBED_DIM = 128
HIDDEN = 128
NUM_CLASSES = 2
BATCH = 4096
SEQ = 200


def setup_inputs(seed: int = 0) -> dict:
    key = jax.random.key(seed)
    ks = jax.random.split(key, 8)
    x = jax.random.randint(ks[0], (BATCH, SEQ), 0, VOCAB, dtype=jnp.int64) if jax.config.jax_enable_x64 else jax.random.randint(ks[0], (BATCH, SEQ), 0, VOCAB, dtype=jnp.int32)
    mask = jax.random.randint(ks[1], (BATCH, SEQ), 0, 2).astype(bool)
    table = jax.random.normal(ks[2], (VOCAB, EMBED_DIM), dtype=jnp.float32) * 0.02
    W1 = jax.random.normal(ks[3], (HIDDEN, EMBED_DIM), dtype=jnp.float32) * 0.05
    b1 = jnp.zeros((HIDDEN,), dtype=jnp.float32)
    gamma = jnp.ones((HIDDEN,), dtype=jnp.float32)
    beta = jnp.zeros((HIDDEN,), dtype=jnp.float32)
    W2 = jax.random.normal(ks[4], (NUM_CLASSES, HIDDEN), dtype=jnp.float32) * 0.05
    b2 = jnp.zeros((NUM_CLASSES,), dtype=jnp.float32)
    return {"x": x, "mask": mask, "table": table, "W1": W1, "b1": b1,
            "gamma": gamma, "beta": beta, "W2": W2, "b2": b2}


def reference(x, mask, table, W1, b1, gamma, beta, W2, b2):
    # Embedding lookup (gather)
    embedded = jnp.take(table, x, axis=0)                      # [B, S, D]
    # masked_fill: positions where mask==True are zeroed
    embedded_masked = jnp.where(mask[..., None], 0.0, embedded)
    # lengths = clamp((~mask).sum(dim=1, keepdim=True), min=1.0)
    lengths = jnp.clip((~mask).sum(axis=1, keepdims=True).astype(jnp.float32), 1.0, None)
    sentence_vec = jnp.sum(embedded_masked, axis=1) / lengths  # [B, D]
    # classifier: Linear -> LayerNorm -> ReLU -> (Dropout eval = identity) -> Linear
    h = sentence_vec @ W1.T + b1
    mu = jnp.mean(h, axis=-1, keepdims=True)
    var = jnp.var(h, axis=-1, keepdims=True)
    hn = (h - mu) / jnp.sqrt(var + 1e-5) * gamma + beta
    hr = jnp.maximum(hn, 0.0)
    out = hr @ W2.T + b2
    return out

if __name__ == "__main__":
    import jax
    _d = setup_inputs()
    print(jax.jit(kernel)(*tuple(_d.values())))

</pallas_src>

<mosaic_0001>
#map = affine_map<(d0, d1) -> (0, 0)>
module attributes {stable_mosaic.version = 14 : i64} {
  func.func @_sc_pool_body(%arg0: i32, %arg1: i32, %arg2: memref<8192x104xi32, #tpu.memory_space<hbm>>, %arg3: memref<100000x128xf32, #tpu.memory_space<hbm>>, %arg4: memref<4096x128xf32, #tpu.memory_space<hbm>>, %arg5: memref<256x104xi32, #tpu.memory_space<vmem>>, %arg6: memref<104x128xf32, #tpu.memory_space<vmem>>, %arg7: memref<104x128xf32, #tpu.memory_space<vmem>>, %arg8: memref<104x128xf32, #tpu.memory_space<vmem>>, %arg9: memref<104x128xf32, #tpu.memory_space<vmem>>, %arg10: memref<128x128xf32, #tpu.memory_space<vmem>>, %arg11: memref<!tpu.dma_semaphore, #tpu.memory_space<semaphore_mem>>) attributes {dimension_semantics = [#tpu.dimension_semantics<core_parallel>, #tpu.dimension_semantics<subcore_parallel>], iteration_bounds = array<i64: 2, 16>, scalar_prefetch = 0 : i64, scratch_operands = 7 : i64, tpu.core_type = #tpu.core_type<sc_vector_subcore>, window_params = [{transform_indices = #map}, {transform_indices = #map}, {transform_indices = #map}]} {
    %mul3A = arith.constant 16 : i32
    %mul3A_0 = arith.muli %arg0, %mul3A : i32
    %add3A = arith.addi %mul3A_0, %arg1 : i32
    %mul3A_1 = arith.constant 256 : i32
    %mul3A_2 = arith.muli %add3A, %mul3A_1 : i32
    "tpu.region"() ({
      %run_scoped3A = tpu.sem_alloc : memref<!tpu.dma_semaphore, #tpu.memory_space<semaphore_mem>>
      %dma_start3A_55 = arith.constant 0 : i32
      %dma_start3A_56 = tpu.memref_slice %arg2[%mul3A_2, %dma_start3A_55] : memref<8192x104xi32, #tpu.memory_space<hbm>> -> memref<256x104xi32, #tpu.memory_space<hbm>>
      %dma_start3A_57 = arith.constant 0 : i32
      %dma_start3A_58 = tpu.memref_slice %arg2[%mul3A_2, %dma_start3A_57] : memref<8192x104xi32, #tpu.memory_space<hbm>> -> memref<256x104xi32, #tpu.memory_space<hbm>>
      tpu.enqueue_dma source(%dma_start3A_58 : memref<256x104xi32, #tpu.memory_space<hbm>>) target(%arg5 : memref<256x104xi32, #tpu.memory_space<vmem>>) target_semaphore(%run_scoped3A : memref<!tpu.dma_semaphore, #tpu.memory_space<semaphore_mem>>)
      %dma_wait3A = arith.constant 0 : i32
      %dma_wait3A_59 = tpu.memref_slice %arg2[%mul3A_2, %dma_wait3A] : memref<8192x104xi32, #tpu.memory_space<hbm>> -> memref<256x104xi32, #tpu.memory_space<hbm>>
      %dma_wait3A_60 = arith.constant 0 : i32
      %dma_wait3A_61 = tpu.memref_slice %arg2[%mul3A_2, %dma_wait3A_60] : memref<8192x104xi32, #tpu.memory_space<hbm>> -> memref<256x104xi32, #tpu.memory_space<hbm>>
      tpu.wait_dma2 semaphore(%run_scoped3A : memref<!tpu.dma_semaphore, #tpu.memory_space<semaphore_mem>>) src(%dma_wait3A_61 : memref<256x104xi32, #tpu.memory_space<hbm>>) dst(%arg5 : memref<256x104xi32, #tpu.memory_space<vmem>>)
      tpu.yield
    }) : () -> ()
    %dma_start3A = arith.constant 0 : i32
    %dma_start3A_3 = arith.constant 0 : i32
    %dma_start3A_4 = tpu.memref_slice %arg5[%dma_start3A, %dma_start3A_3] : memref<256x104xi32, #tpu.memory_space<vmem>> -> memref<1x104xi32, #tpu.memory_space<vmem>>
    %dma_start3A_5 = tpu.memref_squeeze %dma_start3A_4 : memref<1x104xi32, #tpu.memory_space<vmem>> -> memref<104xi32, #tpu.memory_space<vmem>>
    %dma_start3A_6 = arith.constant 0 : i32
    %dma_start3A_7 = arith.constant 0 : i32
    %dma_start3A_8 = tpu.memref_slice %arg3[%dma_start3A_6, %dma_start3A_7] : memref<100000x128xf32, #tpu.memory_space<hbm>> -> memref<100000x128xf32, #tpu.memory_space<hbm>>
    tpu.enqueue_indirect_dma source(%dma_start3A_8 : memref<100000x128xf32, #tpu.memory_space<hbm>>) target(%arg6 : memref<104x128xf32, #tpu.memory_space<vmem>>) offsets(%dma_start3A_5 : memref<104xi32, #tpu.memory_space<vmem>>) semaphore(%arg11 : memref<!tpu.dma_semaphore, #tpu.memory_space<semaphore_mem>>)
    %dma_start3A_9 = arith.constant 1 : i32
    %dma_start3A_10 = arith.constant 0 : i32
    %dma_start3A_11 = tpu.memref_slice %arg5[%dma_start3A_9, %dma_start3A_10] : memref<256x104xi32, #tpu.memory_space<vmem>> -> memref<1x104xi32, #tpu.memory_space<vmem>>
    %dma_start3A_12 = tpu.memref_squeeze %dma_start3A_11 : memref<1x104xi32, #tpu.memory_space<vmem>> -> memref<104xi32, #tpu.memory_space<vmem>>
    %dma_start3A_13 = arith.constant 0 : i32
    %dma_start3A_14 = arith.constant 0 : i32
    %dma_start3A_15 = tpu.memref_slice %arg3[%dma_start3A_13, %dma_start3A_14] : memref<100000x128xf32, #tpu.memory_space<hbm>> -> memref<100000x128xf32, #tpu.memory_space<hbm>>
    tpu.enqueue_indirect_dma source(%dma_start3A_15 : memref<100000x128xf32, #tpu.memory_space<hbm>>) target(%arg7 : memref<104x128xf32, #tpu.memory_space<vmem>>) offsets(%dma_start3A_12 : memref<104xi32, #tpu.memory_space<vmem>>) semaphore(%arg11 : memref<!tpu.dma_semaphore, #tpu.memory_space<semaphore_mem>>)
    %dma_start3A_16 = arith.constant 2 : i32
    %dma_start3A_17 = arith.constant 0 : i32
    %dma_start3A_18 = tpu.memref_slice %arg5[%dma_start3A_16, %dma_start3A_17] : memref<256x104xi32, #tpu.memory_space<vmem>> -> memref<1x104xi32, #tpu.memory_space<vmem>>
    %dma_start3A_19 = tpu.memref_squeeze %dma_start3A_18 : memref<1x104xi32, #tpu.memory_space<vmem>> -> memref<104xi32, #tpu.memory_space<vmem>>
    %dma_start3A_20 = arith.constant 0 : i32
    %dma_start3A_21 = arith.constant 0 : i32
    %dma_start3A_22 = tpu.memref_slice %arg3[%dma_start3A_20, %dma_start3A_21] : memref<100000x128xf32, #tpu.memory_space<hbm>> -> memref<100000x128xf32, #tpu.memory_space<hbm>>
    tpu.enqueue_indirect_dma source(%dma_start3A_22 : memref<100000x128xf32, #tpu.memory_space<hbm>>) target(%arg8 : memref<104x128xf32, #tpu.memory_space<vmem>>) offsets(%dma_start3A_19 : memref<104xi32, #tpu.memory_space<vmem>>) semaphore(%arg11 : memref<!tpu.dma_semaphore, #tpu.memory_space<semaphore_mem>>)
    %dma_start3A_23 = arith.constant 3 : i32
    %dma_start3A_24 = arith.constant 0 : i32
    %dma_start3A_25 = tpu.memref_slice %arg5[%dma_start3A_23, %dma_start3A_24] : memref<256x104xi32, #tpu.memory_space<vmem>> -> memref<1x104xi32, #tpu.memory_space<vmem>>
    %dma_start3A_26 = tpu.memref_squeeze %dma_start3A_25 : memref<1x104xi32, #tpu.memory_space<vmem>> -> memref<104xi32, #tpu.memory_space<vmem>>
    %dma_start3A_27 = arith.constant 0 : i32
    %dma_start3A_28 = arith.constant 0 : i32
    %dma_start3A_29 = tpu.memref_slice %arg3[%dma_start3A_27, %dma_start3A_28] : memref<100000x128xf32, #tpu.memory_space<hbm>> -> memref<100000x128xf32, #tpu.memory_space<hbm>>
    tpu.enqueue_indirect_dma source(%dma_start3A_29 : memref<100000x128xf32, #tpu.memory_space<hbm>>) target(%arg9 : memref<104x128xf32, #tpu.memory_space<vmem>>) offsets(%dma_start3A_26 : memref<104xi32, #tpu.memory_space<vmem>>) semaphore(%arg11 : memref<!tpu.dma_semaphore, #tpu.memory_space<semaphore_mem>>)
    %broadcast_in_dim3A = arith.constant 0.000000e+00 : f32
    %broadcast_in_dim3A_30 = vector.broadcast %broadcast_in_dim3A : f32 to vector<16xf32>
    %broadcast_in_dim3A_31 = arith.constant 0.000000e+00 : f32
    %broadcast_in_dim3A_32 = vector.broadcast %broadcast_in_dim3A_31 : f32 to vector<16xf32>
    %broadcast_in_dim3A_33 = arith.constant 0.000000e+00 : f32
    %broadcast_in_dim3A_34 = vector.broadcast %broadcast_in_dim3A_33 : f32 to vector<16xf32>
    %broadcast_in_dim3A_35 = arith.constant 0.000000e+00 : f32
    %broadcast_in_dim3A_36 = vector.broadcast %broadcast_in_dim3A_35 : f32 to vector<16xf32>
    %broadcast_in_dim3A_37 = arith.constant 0.000000e+00 : f32
    %broadcast_in_dim3A_38 = vector.broadcast %broadcast_in_dim3A_37 : f32 to vector<16xf32>
    %broadcast_in_dim3A_39 = arith.constant 0.000000e+00 : f32
    %broadcast_in_dim3A_40 = vector.broadcast %broadcast_in_dim3A_39 : f32 to vector<16xf32>
    %broadcast_in_dim3A_41 = arith.constant 0.000000e+00 : f32
    %broadcast_in_dim3A_42 = vector.broadcast %broadcast_in_dim3A_41 : f32 to vector<16xf32>
    %broadcast_in_dim3A_43 = arith.constant 0.000000e+00 : f32
    %broadcast_in_dim3A_44 = vector.broadcast %broadcast_in_dim3A_43 : f32 to vector<16xf32>
    %scan3A = arith.constant 0 : i32
    %scan3A_45 = arith.constant 0 : i32
    %scan3A_46 = arith.constant 64 : i32
    %scan3A_47 = arith.addi %scan3A_45, %scan3A_46 : i32
    %scan3A_48 = arith.constant 1 : i32
    scf.for %scan3A_55 = %scan3A_45 to %scan3A_47 step %scan3A_48  : i32 {
      %mul3A_56 = arith.constant 4 : i32
      %mul3A_57 = arith.muli %scan3A_55, %mul3A_56 : i32
      %mul3A_58 = arith.constant 2 : i32
      %mul3A_59 = arith.muli %scan3A_55, %mul3A_58 : i32
      %add3A_60 = arith.constant 0 : i32
      %add3A_61 = arith.addi %mul3A_59, %add3A_60 : i32
      %add3A_62 = arith.constant 0 : i32
      %add3A_63 = arith.addi %mul3A_57, %add3A_62 : i32
      %dma_wait3A = arith.constant 0 : i32
      %dma_wait3A_64 = tpu.memref_slice %arg5[%add3A_63, %dma_wait3A] : memref<256x104xi32, #tpu.memory_space<vmem>> -> memref<1x104xi32, #tpu.memory_space<vmem>>
      %dma_wait3A_65 = tpu.memref_squeeze %dma_wait3A_64 : memref<1x104xi32, #tpu.memory_space<vmem>> -> memref<104xi32, #tpu.memory_space<vmem>>
      %dma_wait3A_66 = arith.constant 0 : i32
      %dma_wait3A_67 = arith.constant 0 : i32
      %dma_wait3A_68 = tpu.memref_slice %arg3[%dma_wait3A_66, %dma_wait3A_67] : memref<100000x128xf32, #tpu.memory_space<hbm>> -> memref<100000x128xf32, #tpu.memory_space<hbm>>
      tpu.wait_indirect_dma semaphore(%arg11 : memref<!tpu.dma_semaphore, #tpu.memory_space<semaphore_mem>>) src(%dma_wait3A_68 : memref<100000x128xf32, #tpu.memory_space<hbm>>) dst(%arg6 : memref<104x128xf32, #tpu.memory_space<vmem>>)
      %scan3A_69 = arith.constant 0 : i32
      %scan3A_70 = arith.constant 104 : i32
      %scan3A_71 = arith.addi %scan3A_69, %scan3A_70 : i32
      %scan3A_72 = arith.constant 1 : i32
      %scan3A_73:8 = scf.for %scan3A_225 = %scan3A_69 to %scan3A_71 step %scan3A_72 iter_args(%scan3A_226 = %broadcast_in_dim3A_30, %scan3A_227 = %broadcast_in_dim3A_32, %scan3A_228 = %broadcast_in_dim3A_34, %scan3A_229 = %broadcast_in_dim3A_36, %scan3A_230 = %broadcast_in_dim3A_38, %scan3A_231 = %broadcast_in_dim3A_40, %scan3A_232 = %broadcast_in_dim3A_42, %scan3A_233 = %broadcast_in_dim3A_44) -> (vector<16xf32>, vector<16xf32>, vector<16xf32>, vector<16xf32>, vector<16xf32>, vector<16xf32>, vector<16xf32>, vector<16xf32>)  : i32 {
        %get3A = arith.index_cast %scan3A_225 : i32 to index
        %get3A_234 = arith.constant 0 : index
        %get3A_235 = tpu.vector_load %arg6[%get3A, %get3A_234] {strides = array<i32>} : memref<104x128xf32, #tpu.memory_space<vmem>>, vector<1x16xf32>,
        %get3A_236 = vector.shape_cast %get3A_235 : vector<1x16xf32> to vector<16xf32>
        %add3A_237 = arith.addf %scan3A_226, %get3A_236 : vector<16xf32>
        %get3A_238 = arith.index_cast %scan3A_225 : i32 to index
        %get3A_239 = arith.constant 16 : index
        %get3A_240 = tpu.vector_load %arg6[%get3A_238, %get3A_239] {strides = array<i32>} : memref<104x128xf32, #tpu.memory_space<vmem>>, vector<1x16xf32>,
        %get3A_241 = vector.shape_cast %get3A_240 : vector<1x16xf32> to vector<16xf32>
        %add3A_242 = arith.addf %scan3A_227, %get3A_241 : vector<16xf32>
        %get3A_243 = arith.index_cast %scan3A_225 : i32 to index
        %get3A_244 = arith.constant 32 : index
        %get3A_245 = tpu.vector_load %arg6[%get3A_243, %get3A_244] {strides = array<i32>} : memref<104x128xf32, #tpu.memory_space<vmem>>, vector<1x16xf32>,
        %get3A_246 = vector.shape_cast %get3A_245 : vector<1x16xf32> to vector<16xf32>
        %add3A_247 = arith.addf %scan3A_228, %get3A_246 : vector<16xf32>
        %get3A_248 = arith.index_cast %scan3A_225 : i32 to index
        %get3A_249 = arith.constant 48 : index
        %get3A_250 = tpu.vector_load %arg6[%get3A_248, %get3A_249] {strides = array<i32>} : memref<104x128xf32, #tpu.memory_space<vmem>>, vector<1x16xf32>,
        %get3A_251 = vector.shape_cast %get3A_250 : vector<1x16xf32> to vector<16xf32>
        %add3A_252 = arith.addf %scan3A_229, %get3A_251 : vector<16xf32>
        %get3A_253 = arith.index_cast %scan3A_225 : i32 to index
        %get3A_254 = arith.constant 64 : index
        %get3A_255 = tpu.vector_load %arg6[%get3A_253, %get3A_254] {strides = array<i32>} : memref<104x128xf32, #tpu.memory_space<vmem>>, vector<1x16xf32>,
        %get3A_256 = vector.shape_cast %get3A_255 : vector<1x16xf32> to vector<16xf32>
        %add3A_257 = arith.addf %scan3A_230, %get3A_256 : vector<16xf32>
        %get3A_258 = arith.index_cast %scan3A_225 : i32 to index
        %get3A_259 = arith.constant 80 : index
        %get3A_260 = tpu.vector_load %arg6[%get3A_258, %get3A_259] {strides = array<i32>} : memref<104x128xf32, #tpu.memory_space<vmem>>, vector<1x16xf32>,
        %get3A_261 = vector.shape_cast %get3A_260 : vector<1x16xf32> to vector<16xf32>
        %add3A_262 = arith.addf %scan3A_231, %get3A_261 : vector<16xf32>
        %get3A_263 = arith.index_cast %scan3A_225 : i32 to index
        %get3A_264 = arith.constant 96 : index
        %get3A_265 = tpu.vector_load %arg6[%get3A_263, %get3A_264] {strides = array<i32>} : memref<104x128xf32, #tpu.memory_space<vmem>>, vector<1x16xf32>,
        %get3A_266 = vector.shape_cast %get3A_265 : vector<1x16xf32> to vector<16xf32>
        %add3A_267 = arith.addf %scan3A_232, %get3A_266 : vector<16xf32>
        %get3A_268 = arith.index_cast %scan3A_225 : i32 to index
        %get3A_269 = arith.constant 112 : index
        %get3A_270 = tpu.vector_load %arg6[%get3A_268, %get3A_269] {strides = array<i32>} : memref<104x128xf32, #tpu.memory_space<vmem>>, vector<1x16xf32>,
        %get3A_271 = vector.shape_cast %get3A_270 : vector<1x16xf32> to vector<16xf32>
        %add3A_272 = arith.addf %scan3A_233, %get3A_271 : vector<16xf32>
        scf.yield %add3A_237, %add3A_242, %add3A_247, %add3A_252, %add3A_257, %add3A_262, %add3A_267, %add3A_272 : vector<16xf32>, vector<16xf32>, vector<16xf32>, vector<16xf32>, vector<16xf32>, vector<16xf32>, vector<16xf32>, vector<16xf32>
      }
      %scan3A_74 = arith.constant 104 : i32
      %add3A_75 = arith.constant 4 : i32
      %add3A_76 = arith.addi %add3A_63, %add3A_75 : i32
      %lt3A = arith.constant 256 : i32
      %lt3A_77 = arith.cmpi slt, %add3A_76, %lt3A : i32
      %convert_element_type3A = arith.extui %lt3A_77 : i1 to i32
      %cond3A = arith.constant 0 : i32
      %cond3A_78 = arith.cmpi ne, %convert_element_type3A, %cond3A : i32
      scf.if %cond3A_78 {
        %add3A_225 = arith.constant 4 : i32
        %add3A_226 = arith.addi %add3A_63, %add3A_225 : i32
        %dma_start3A_227 = arith.constant 0 : i32
        %dma_start3A_228 = tpu.memref_slice %arg5[%add3A_226, %dma_start3A_227] : memref<256x104xi32, #tpu.memory_space<vmem>> -> memref<1x104xi32, #tpu.memory_space<vmem>>
        %dma_start3A_229 = tpu.memref_squeeze %dma_start3A_228 : memref<1x104xi32, #tpu.memory_space<vmem>> -> memref<104xi32, #tpu.memory_space<vmem>>
        %dma_start3A_230 = arith.constant 0 : i32
        %dma_start3A_231 = arith.constant 0 : i32
        %dma_start3A_232 = tpu.memref_slice %arg3[%dma_start3A_230, %dma_start3A_231] : memref<100000x128xf32, #tpu.memory_space<hbm>> -> memref<100000x128xf32, #tpu.memory_space<hbm>>
        tpu.enqueue_indirect_dma source(%dma_start3A_232 : memref<100000x128xf32, #tpu.memory_space<hbm>>) target(%arg6 : memref<104x128xf32, #tpu.memory_space<vmem>>) offsets(%dma_start3A_229 : memref<104xi32, #tpu.memory_space<vmem>>) semaphore(%arg11 : memref<!tpu.dma_semaphore, #tpu.memory_space<semaphore_mem>>)
      } else {
      }
      %add3A_79 = arith.constant 1 : i32
      %add3A_80 = arith.addi %mul3A_57, %add3A_79 : i32
      %dma_wait3A_81 = arith.constant 0 : i32
      %dma_wait3A_82 = tpu.memref_slice %arg5[%add3A_80, %dma_wait3A_81] : memref<256x104xi32, #tpu.memory_space<vmem>> -> memref<1x104xi32, #tpu.memory_space<vmem>>
      %dma_wait3A_83 = tpu.memref_squeeze %dma_wait3A_82 : memref<1x104xi32, #tpu.memory_space<vmem>> -> memref<104xi32, #tpu.memory_space<vmem>>
      %dma_wait3A_84 = arith.constant 0 : i32
      %dma_wait3A_85 = arith.constant 0 : i32
      %dma_wait3A_86 = tpu.memref_slice %arg3[%dma_wait3A_84, %dma_wait3A_85] : memref<100000x128xf32, #tpu.memory_space<hbm>> -> memref<100000x128xf32, #tpu.memory_space<hbm>>
      tpu.wait_indirect_dma semaphore(%arg11 : memref<!tpu.dma_semaphore, #tpu.memory_space<semaphore_mem>>) src(%dma_wait3A_86 : memref<100000x128xf32, #tpu.memory_space<hbm>>) dst(%arg7 : memref<104x128xf32, #tpu.memory_space<vmem>>)
      %scan3A_87 = arith.constant 0 : i32
      %scan3A_88 = arith.constant 104 : i32
      %scan3A_89 = arith.addi %scan3A_87, %scan3A_88 : i32
      %scan3A_90 = arith.constant 1 : i32
      %scan3A_91:8 = scf.for %scan3A_225 = %scan3A_87 to %scan3A_89 step %scan3A_90 iter_args(%scan3A_226 = %scan3A_73#0, %scan3A_227 = %scan3A_73#1, %scan3A_228 = %scan3A_73#2, %scan3A_229 = %scan3A_73#3, %scan3A_230 = %scan3A_73#4, %scan3A_231 = %scan3A_73#5, %scan3A_232 = %scan3A_73#6, %scan3A_233 = %scan3A_73#7) -> (vector<16xf32>, vector<16xf32>, vector<16xf32>, vector<16xf32>, vector<16xf32>, vector<16xf32>, vector<16xf32>, vector<16xf32>)  : i32 {
        %get3A = arith.index_cast %scan3A_225 : i32 to index
        %get3A_234 = arith.constant 0 : index
        %get3A_235 = tpu.vector_load %arg7[%get3A, %get3A_234] {strides = array<i32>} : memref<104x128xf32, #tpu.memory_space<vmem>>, vector<1x16xf32>,
        %get3A_236 = vector.shape_cast %get3A_235 : vector<1x16xf32> to vector<16xf32>
        %add3A_237 = arith.addf %scan3A_226, %get3A_236 : vector<16xf32>
        %get3A_238 = arith.index_cast %scan3A_225 : i32 to index
        %get3A_239 = arith.constant 16 : index
        %get3A_240 = tpu.vector_load %arg7[%get3A_238, %get3A_239] {strides = array<i32>} : memref<104x128xf32, #tpu.memory_space<vmem>>, vector<1x16xf32>,
        %get3A_241 = vector.shape_cast %get3A_240 : vector<1x16xf32> to vector<16xf32>
        %add3A_242 = arith.addf %scan3A_227, %get3A_241 : vector<16xf32>
        %get3A_243 = arith.index_cast %scan3A_225 : i32 to index
        %get3A_244 = arith.constant 32 : index
        %get3A_245 = tpu.vector_load %arg7[%get3A_243, %get3A_244] {strides = array<i32>} : memref<104x128xf32, #tpu.memory_space<vmem>>, vector<1x16xf32>,
        %get3A_246 = vector.shape_cast %get3A_245 : vector<1x16xf32> to vector<16xf32>
        %add3A_247 = arith.addf %scan3A_228, %get3A_246 : vector<16xf32>
        %get3A_248 = arith.index_cast %scan3A_225 : i32 to index
        %get3A_249 = arith.constant 48 : index
        %get3A_250 = tpu.vector_load %arg7[%get3A_248, %get3A_249] {strides = array<i32>} : memref<104x128xf32, #tpu.memory_space<vmem>>, vector<1x16xf32>,
        %get3A_251 = vector.shape_cast %get3A_250 : vector<1x16xf32> to vector<16xf32>
        %add3A_252 = arith.addf %scan3A_229, %get3A_251 : vector<16xf32>
        %get3A_253 = arith.index_cast %scan3A_225 : i32 to index
        %get3A_254 = arith.constant 64 : index
        %get3A_255 = tpu.vector_load %arg7[%get3A_253, %get3A_254] {strides = array<i32>} : memref<104x128xf32, #tpu.memory_space<vmem>>, vector<1x16xf32>,
        %get3A_256 = vector.shape_cast %get3A_255 : vector<1x16xf32> to vector<16xf32>
        %add3A_257 = arith.addf %scan3A_230, %get3A_256 : vector<16xf32>
        %get3A_258 = arith.index_cast %scan3A_225 : i32 to index
        %get3A_259 = arith.constant 80 : index
        %get3A_260 = tpu.vector_load %arg7[%get3A_258, %get3A_259] {strides = array<i32>} : memref<104x128xf32, #tpu.memory_space<vmem>>, vector<1x16xf32>,
        %get3A_261 = vector.shape_cast %get3A_260 : vector<1x16xf32> to vector<16xf32>
        %add3A_262 = arith.addf %scan3A_231, %get3A_261 : vector<16xf32>
        %get3A_263 = arith.index_cast %scan3A_225 : i32 to index
        %get3A_264 = arith.constant 96 : index
        %get3A_265 = tpu.vector_load %arg7[%get3A_263, %get3A_264] {strides = array<i32>} : memref<104x128xf32, #tpu.memory_space<vmem>>, vector<1x16xf32>,
        %get3A_266 = vector.shape_cast %get3A_265 : vector<1x16xf32> to vector<16xf32>
        %add3A_267 = arith.addf %scan3A_232, %get3A_266 : vector<16xf32>
        %get3A_268 = arith.index_cast %scan3A_225 : i32 to index
        %get3A_269 = arith.constant 112 : index
        %get3A_270 = tpu.vector_load %arg7[%get3A_268, %get3A_269] {strides = array<i32>} : memref<104x128xf32, #tpu.memory_space<vmem>>, vector<1x16xf32>,
        %get3A_271 = vector.shape_cast %get3A_270 : vector<1x16xf32> to vector<16xf32>
        %add3A_272 = arith.addf %scan3A_233, %get3A_271 : vector<16xf32>
        scf.yield %add3A_237, %add3A_242, %add3A_247, %add3A_252, %add3A_257, %add3A_262, %add3A_267, %add3A_272 : vector<16xf32>, vector<16xf32>, vector<16xf32>, vector<16xf32>, vector<16xf32>, vector<16xf32>, vector<16xf32>, vector<16xf32>
      }
      %scan3A_92 = arith.constant 104 : i32
      %add3A_93 = arith.constant 4 : i32
      %add3A_94 = arith.addi %add3A_80, %add3A_93 : i32
      %lt3A_95 = arith.constant 256 : i32
      %lt3A_96 = arith.cmpi slt, %add3A_94, %lt3A_95 : i32
      %convert_element_type3A_97 = arith.extui %lt3A_96 : i1 to i32
      %cond3A_98 = arith.constant 0 : i32
      %cond3A_99 = arith.cmpi ne, %convert_element_type3A_97, %cond3A_98 : i32
      scf.if %cond3A_99 {
        %add3A_225 = arith.constant 4 : i32
        %add3A_226 = arith.addi %add3A_80, %add3A_225 : i32
        %dma_start3A_227 = arith.constant 0 : i32
        %dma_start3A_228 = tpu.memref_slice %arg5[%add3A_226, %dma_start3A_227] : memref<256x104xi32, #tpu.memory_space<vmem>> -> memref<1x104xi32, #tpu.memory_space<vmem>>
        %dma_start3A_229 = tpu.memref_squeeze %dma_start3A_228 : memref<1x104xi32, #tpu.memory_space<vmem>> -> memref<104xi32, #tpu.memory_space<vmem>>
        %dma_start3A_230 = arith.constant 0 : i32
        %dma_start3A_231 = arith.constant 0 : i32
        %dma_start3A_232 = tpu.memref_slice %arg3[%dma_start3A_230, %dma_start3A_231] : memref<100000x128xf32, #tpu.memory_space<hbm>> -> memref<100000x128xf32, #tpu.memory_space<hbm>>
        tpu.enqueue_indirect_dma source(%dma_start3A_232 : memref<100000x128xf32, #tpu.memory_space<hbm>>) target(%arg7 : memref<104x128xf32, #tpu.memory_space<vmem>>) offsets(%dma_start3A_229 : memref<104xi32, #tpu.memory_space<vmem>>) semaphore(%arg11 : memref<!tpu.dma_semaphore, #tpu.memory_space<semaphore_mem>>)
      } else {
      }
      %swap3A = arith.index_cast %add3A_61 : i32 to index
      %swap3A_100 = arith.constant 0 : index
      %swap3A_101 = tpu.vector_load %arg10[%swap3A, %swap3A_100] {strides = array<i32>} : memref<128x128xf32, #tpu.memory_space<vmem>>, vector<1x16xf32>,
      %swap3A_102 = vector.shape_cast %swap3A_101 : vector<1x16xf32> to vector<16xf32>
      %swap3A_103 = vector.shape_cast %scan3A_91#0 : vector<16xf32> to vector<1x16xf32>
      tpu.vector_store %arg10[%swap3A, %swap3A_100], %swap3A_103 {strides = array<i32>} : memref<128x128xf32, #tpu.memory_space<vmem>>, vector<1x16xf32>,
      %swap3A_104 = arith.index_cast %add3A_61 : i32 to index
      %swap3A_105 = arith.constant 16 : index
      %swap3A_106 = tpu.vector_load %arg10[%swap3A_104, %swap3A_105] {strides = array<i32>} : memref<128x128xf32, #tpu.memory_space<vmem>>, vector<1x16xf32>,
      %swap3A_107 = vector.shape_cast %swap3A_106 : vector<1x16xf32> to vector<16xf32>
      %swap3A_108 = vector.shape_cast %scan3A_91#1 : vector<16xf32> to vector<1x16xf32>
      tpu.vector_store %arg10[%swap3A_104, %swap3A_105], %swap3A_108 {strides = array<i32>} : memref<128x128xf32, #tpu.memory_space<vmem>>, vector<1x16xf32>,
      %swap3A_109 = arith.index_cast %add3A_61 : i32 to index
      %swap3A_110 = arith.constant 32 : index
      %swap3A_111 = tpu.vector_load %arg10[%swap3A_109, %swap3A_110] {strides = array<i32>} : memref<128x128xf32, #tpu.memory_space<vmem>>, vector<1x16xf32>,
      %swap3A_112 = vector.shape_cast %swap3A_111 : vector<1x16xf32> to vector<16xf32>
      %swap3A_113 = vector.shape_cast %scan3A_91#2 : vector<16xf32> to vector<1x16xf32>
      tpu.vector_store %arg10[%swap3A_109, %swap3A_110], %swap3A_113 {strides = array<i32>} : memref<128x128xf32, #tpu.memory_space<vmem>>, vector<1x16xf32>,
      %swap3A_114 = arith.index_cast %add3A_61 : i32 to index
      %swap3A_115 = arith.constant 48 : index
      %swap3A_116 = tpu.vector_load %arg10[%swap3A_114, %swap3A_115] {strides = array<i32>} : memref<128x128xf32, #tpu.memory_space<vmem>>, vector<1x16xf32>,
      %swap3A_117 = vector.shape_cast %swap3A_116 : vector<1x16xf32> to vector<16xf32>
      %swap3A_118 = vector.shape_cast %scan3A_91#3 : vector<16xf32> to vector<1x16xf32>
      tpu.vector_store %arg10[%swap3A_114, %swap3A_115], %swap3A_118 {strides = array<i32>} : memref<128x128xf32, #tpu.memory_space<vmem>>, vector<1x16xf32>,
      %swap3A_119 = arith.index_cast %add3A_61 : i32 to index
      %swap3A_120 = arith.constant 64 : index
      %swap3A_121 = tpu.vector_load %arg10[%swap3A_119, %swap3A_120] {strides = array<i32>} : memref<128x128xf32, #tpu.memory_space<vmem>>, vector<1x16xf32>,
      %swap3A_122 = vector.shape_cast %swap3A_121 : vector<1x16xf32> to vector<16xf32>
      %swap3A_123 = vector.shape_cast %scan3A_91#4 : vector<16xf32> to vector<1x16xf32>
      tpu.vector_store %arg10[%swap3A_119, %swap3A_120], %swap3A_123 {strides = array<i32>} : memref<128x128xf32, #tpu.memory_space<vmem>>, vector<1x16xf32>,
      %swap3A_124 = arith.index_cast %add3A_61 : i32 to index
      %swap3A_125 = arith.constant 80 : index
      %swap3A_126 = tpu.vector_load %arg10[%swap3A_124, %swap3A_125] {strides = array<i32>} : memref<128x128xf32, #tpu.memory_space<vmem>>, vector<1x16xf32>,
      %swap3A_127 = vector.shape_cast %swap3A_126 : vector<1x16xf32> to vector<16xf32>
      %swap3A_128 = vector.shape_cast %scan3A_91#5 : vector<16xf32> to vector<1x16xf32>
      tpu.vector_store %arg10[%swap3A_124, %swap3A_125], %swap3A_128 {strides = array<i32>} : memref<128x128xf32, #tpu.memory_space<vmem>>, vector<1x16xf32>,
      %swap3A_129 = arith.index_cast %add3A_61 : i32 to index
      %swap3A_130 = arith.constant 96 : index
      %swap3A_131 = tpu.vector_load %arg10[%swap3A_129, %swap3A_130] {strides = array<i32>} : memref<128x128xf32, #tpu.memory_space<vmem>>, vector<1x16xf32>,
      %swap3A_132 = vector.shape_cast %swap3A_131 : vector<1x16xf32> to vector<16xf32>
      %swap3A_133 = vector.shape_cast %scan3A_91#6 : vector<16xf32> to vector<1x16xf32>
      tpu.vector_store %arg10[%swap3A_129, %swap3A_130], %swap3A_133 {strides = array<i32>} : memref<128x128xf32, #tpu.memory_space<vmem>>, vector<1x16xf32>,
      %swap3A_134 = arith.index_cast %add3A_61 : i32 to index
      %swap3A_135 = arith.constant 112 : index
      %swap3A_136 = tpu.vector_load %arg10[%swap3A_134, %swap3A_135] {strides = array<i32>} : memref<128x128xf32, #tpu.memory_space<vmem>>, vector<1x16xf32>,
      %swap3A_137 = vector.shape_cast %swap3A_136 : vector<1x16xf32> to vector<16xf32>
      %swap3A_138 = vector.shape_cast %scan3A_91#7 : vector<16xf32> to vector<1x16xf32>
      tpu.vector_store %arg10[%swap3A_134, %swap3A_135], %swap3A_138 {strides = array<i32>} : memref<128x128xf32, #tpu.memory_space<vmem>>, vector<1x16xf32>,
      %mul3A_139 = arith.constant 2 : i32
      %mul3A_140 = arith.muli %scan3A_55, %mul3A_139 : i32
      %add3A_141 = arith.constant 1 : i32
      %add3A_142 = arith.addi %mul3A_140, %add3A_141 : i32
      %add3A_143 = arith.constant 2 : i32
      %add3A_144 = arith.addi %mul3A_57, %add3A_143 : i32
      %dma_wait3A_145 = arith.constant 0 : i32
      %dma_wait3A_146 = tpu.memref_slice %arg5[%add3A_144, %dma_wait3A_145] : memref<256x104xi32, #tpu.memory_space<vmem>> -> memref<1x104xi32, #tpu.memory_space<vmem>>
      %dma_wait3A_147 = tpu.memref_squeeze %dma_wait3A_146 : memref<1x104xi32, #tpu.memory_space<vmem>> -> memref<104xi32, #tpu.memory_space<vmem>>
      %dma_wait3A_148 = arith.constant 0 : i32
      %dma_wait3A_149 = arith.constant 0 : i32
      %dma_wait3A_150 = tpu.memref_slice %arg3[%dma_wait3A_148, %dma_wait3A_149] : memref<100000x128xf32, #tpu.memory_space<hbm>> -> memref<100000x128xf32, #tpu.memory_space<hbm>>
      tpu.wait_indirect_dma semaphore(%arg11 : memref<!tpu.dma_semaphore, #tpu.memory_space<semaphore_mem>>) src(%dma_wait3A_150 : memref<100000x128xf32, #tpu.memory_space<hbm>>) dst(%arg8 : memref<104x128xf32, #tpu.memory_space<vmem>>)
      %scan3A_151 = arith.constant 0 : i32
      %scan3A_152 = arith.constant 104 : i32
      %scan3A_153 = arith.addi %scan3A_151, %scan3A_152 : i32
      %scan3A_154 = arith.constant 1 : i32
      %scan3A_155:8 = scf.for %scan3A_225 = %scan3A_151 to %scan3A_153 step %scan3A_154 iter_args(%scan3A_226 = %broadcast_in_dim3A_30, %scan3A_227 = %broadcast_in_dim3A_32, %scan3A_228 = %broadcast_in_dim3A_34, %scan3A_229 = %broadcast_in_dim3A_36, %scan3A_230 = %broadcast_in_dim3A_38, %scan3A_231 = %broadcast_in_dim3A_40, %scan3A_232 = %broadcast_in_dim3A_42, %scan3A_233 = %broadcast_in_dim3A_44) -> (vector<16xf32>, vector<16xf32>, vector<16xf32>, vector<16xf32>, vector<16xf32>, vector<16xf32>, vector<16xf32>, vector<16xf32>)  : i32 {
        %get3A = arith.index_cast %scan3A_225 : i32 to index
        %get3A_234 = arith.constant 0 : index
        %get3A_235 = tpu.vector_load %arg8[%get3A, %get3A_234] {strides = array<i32>} : memref<104x128xf32, #tpu.memory_space<vmem>>, vector<1x16xf32>,
        %get3A_236 = vector.shape_cast %get3A_235 : vector<1x16xf32> to vector<16xf32>
        %add3A_237 = arith.addf %scan3A_226, %get3A_236 : vector<16xf32>
        %get3A_238 = arith.index_cast %scan3A_225 : i32 to index
        %get3A_239 = arith.constant 16 : index
        %get3A_240 = tpu.vector_load %arg8[%get3A_238, %get3A_239] {strides = array<i32>} : memref<104x128xf32, #tpu.memory_space<vmem>>, vector<1x16xf32>,
        %get3A_241 = vector.shape_cast %get3A_240 : vector<1x16xf32> to vector<16xf32>
        %add3A_242 = arith.addf %scan3A_227, %get3A_241 : vector<16xf32>
        %get3A_243 = arith.index_cast %scan3A_225 : i32 to index
        %get3A_244 = arith.constant 32 : index
        %get3A_245 = tpu.vector_load %arg8[%get3A_243, %get3A_244] {strides = array<i32>} : memref<104x128xf32, #tpu.memory_space<vmem>>, vector<1x16xf32>,
        %get3A_246 = vector.shape_cast %get3A_245 : vector<1x16xf32> to vector<16xf32>
        %add3A_247 = arith.addf %scan3A_228, %get3A_246 : vector<16xf32>
        %get3A_248 = arith.index_cast %scan3A_225 : i32 to index
        %get3A_249 = arith.constant 48 : index
        %get3A_250 = tpu.vector_load %arg8[%get3A_248, %get3A_249] {strides = array<i32>} : memref<104x128xf32, #tpu.memory_space<vmem>>, vector<1x16xf32>,
        %get3A_251 = vector.shape_cast %get3A_250 : vector<1x16xf32> to vector<16xf32>
        %add3A_252 = arith.addf %scan3A_229, %get3A_251 : vector<16xf32>
        %get3A_253 = arith.index_cast %scan3A_225 : i32 to index
        %get3A_254 = arith.constant 64 : index
        %get3A_255 = tpu.vector_load %arg8[%get3A_253, %get3A_254] {strides = array<i32>} : memref<104x128xf32, #tpu.memory_space<vmem>>, vector<1x16xf32>,
        %get3A_256 = vector.shape_cast %get3A_255 : vector<1x16xf32> to vector<16xf32>
        %add3A_257 = arith.addf %scan3A_230, %get3A_256 : vector<16xf32>
        %get3A_258 = arith.index_cast %scan3A_225 : i32 to index
        %get3A_259 = arith.constant 80 : index
        %get3A_260 = tpu.vector_load %arg8[%get3A_258, %get3A_259] {strides = array<i32>} : memref<104x128xf32, #tpu.memory_space<vmem>>, vector<1x16xf32>,
        %get3A_261 = vector.shape_cast %get3A_260 : vector<1x16xf32> to vector<16xf32>
        %add3A_262 = arith.addf %scan3A_231, %get3A_261 : vector<16xf32>
        %get3A_263 = arith.index_cast %scan3A_225 : i32 to index
        %get3A_264 = arith.constant 96 : index
        %get3A_265 = tpu.vector_load %arg8[%get3A_263, %get3A_264] {strides = array<i32>} : memref<104x128xf32, #tpu.memory_space<vmem>>, vector<1x16xf32>,
        %get3A_266 = vector.shape_cast %get3A_265 : vector<1x16xf32> to vector<16xf32>
        %add3A_267 = arith.addf %scan3A_232, %get3A_266 : vector<16xf32>
        %get3A_268 = arith.index_cast %scan3A_225 : i32 to index
        %get3A_269 = arith.constant 112 : index
        %get3A_270 = tpu.vector_load %arg8[%get3A_268, %get3A_269] {strides = array<i32>} : memref<104x128xf32, #tpu.memory_space<vmem>>, vector<1x16xf32>,
        %get3A_271 = vector.shape_cast %get3A_270 : vector<1x16xf32> to vector<16xf32>
        %add3A_272 = arith.addf %scan3A_233, %get3A_271 : vector<16xf32>
        scf.yield %add3A_237, %add3A_242, %add3A_247, %add3A_252, %add3A_257, %add3A_262, %add3A_267, %add3A_272 : vector<16xf32>, vector<16xf32>, vector<16xf32>, vector<16xf32>, vector<16xf32>, vector<16xf32>, vector<16xf32>, vector<16xf32>
      }
      %scan3A_156 = arith.constant 104 : i32
      %add3A_157 = arith.constant 4 : i32
      %add3A_158 = arith.addi %add3A_144, %add3A_157 : i32
      %lt3A_159 = arith.constant 256 : i32
      %lt3A_160 = arith.cmpi slt, %add3A_158, %lt3A_159 : i32
      %convert_element_type3A_161 = arith.extui %lt3A_160 : i1 to i32
      %cond3A_162 = arith.constant 0 : i32
      %cond3A_163 = arith.cmpi ne, %convert_element_type3A_161, %cond3A_162 : i32
      scf.if %cond3A_163 {
        %add3A_225 = arith.constant 4 : i32
        %add3A_226 = arith.addi %add3A_144, %add3A_225 : i32
        %dma_start3A_227 = arith.constant 0 : i32
        %dma_start3A_228 = tpu.memref_slice %arg5[%add3A_226, %dma_start3A_227] : memref<256x104xi32, #tpu.memory_space<vmem>> -> memref<1x104xi32, #tpu.memory_space<vmem>>
        %dma_start3A_229 = tpu.memref_squeeze %dma_start3A_228 : memref<1x104xi32, #tpu.memory_space<vmem>> -> memref<104xi32, #tpu.memory_space<vmem>>
        %dma_start3A_230 = arith.constant 0 : i32
        %dma_start3A_231 = arith.constant 0 : i32
        %dma_start3A_232 = tpu.memref_slice %arg3[%dma_start3A_230, %dma_start3A_231] : memref<100000x128xf32, #tpu.memory_space<hbm>> -> memref<100000x128xf32, #tpu.memory_space<hbm>>
        tpu.enqueue_indirect_dma source(%dma_start3A_232 : memref<100000x128xf32, #tpu.memory_space<hbm>>) target(%arg8 : memref<104x128xf32, #tpu.memory_space<vmem>>) offsets(%dma_start3A_229 : memref<104xi32, #tpu.memory_space<vmem>>) semaphore(%arg11 : memref<!tpu.dma_semaphore, #tpu.memory_space<semaphore_mem>>)
      } else {
      }
      %add3A_164 = arith.constant 3 : i32
      %add3A_165 = arith.addi %mul3A_57, %add3A_164 : i32
      %dma_wait3A_166 = arith.constant 0 : i32
      %dma_wait3A_167 = tpu.memref_slice %arg5[%add3A_165, %dma_wait3A_166] : memref<256x104xi32, #tpu.memory_space<vmem>> -> memref<1x104xi32, #tpu.memory_space<vmem>>
      %dma_wait3A_168 = tpu.memref_squeeze %dma_wait3A_167 : memref<1x104xi32, #tpu.memory_space<vmem>> -> memref<104xi32, #tpu.memory_space<vmem>>
      %dma_wait3A_169 = arith.constant 0 : i32
      %dma_wait3A_170 = arith.constant 0 : i32
      %dma_wait3A_171 = tpu.memref_slice %arg3[%dma_wait3A_169, %dma_wait3A_170] : memref<100000x128xf32, #tpu.memory_space<hbm>> -> memref<100000x128xf32, #tpu.memory_space<hbm>>
      tpu.wait_indirect_dma semaphore(%arg11 : memref<!tpu.dma_semaphore, #tpu.memory_space<semaphore_mem>>) src(%dma_wait3A_171 : memref<100000x128xf32, #tpu.memory_space<hbm>>) dst(%arg9 : memref<104x128xf32, #tpu.memory_space<vmem>>)
      %scan3A_172 = arith.constant 0 : i32
      %scan3A_173 = arith.constant 104 : i32
      %scan3A_174 = arith.addi %scan3A_172, %scan3A_173 : i32
      %scan3A_175 = arith.constant 1 : i32
      %scan3A_176:8 = scf.for %scan3A_225 = %scan3A_172 to %scan3A_174 step %scan3A_175 iter_args(%scan3A_226 = %scan3A_155#0, %scan3A_227 = %scan3A_155#1, %scan3A_228 = %scan3A_155#2, %scan3A_229 = %scan3A_155#3, %scan3A_230 = %scan3A_155#4, %scan3A_231 = %scan3A_155#5, %scan3A_232 = %scan3A_155#6, %scan3A_233 = %scan3A_155#7) -> (vector<16xf32>, vector<16xf32>, vector<16xf32>, vector<16xf32>, vector<16xf32>, vector<16xf32>, vector<16xf32>, vector<16xf32>)  : i32 {
        %get3A = arith.index_cast %scan3A_225 : i32 to index
        %get3A_234 = arith.constant 0 : index
        %get3A_235 = tpu.vector_load %arg9[%get3A, %get3A_234] {strides = array<i32>} : memref<104x128xf32, #tpu.memory_space<vmem>>, vector<1x16xf32>,
        %get3A_236 = vector.shape_cast %get3A_235 : vector<1x16xf32> to vector<16xf32>
        %add3A_237 = arith.addf %scan3A_226, %get3A_236 : vector<16xf32>
        %get3A_238 = arith.index_cast %scan3A_225 : i32 to index
        %get3A_239 = arith.constant 16 : index
        %get3A_240 = tpu.vector_load %arg9[%get3A_238, %get3A_239] {strides = array<i32>} : memref<104x128xf32, #tpu.memory_space<vmem>>, vector<1x16xf32>,
        %get3A_241 = vector.shape_cast %get3A_240 : vector<1x16xf32> to vector<16xf32>
        %add3A_242 = arith.addf %scan3A_227, %get3A_241 : vector<16xf32>
        %get3A_243 = arith.index_cast %scan3A_225 : i32 to index
        %get3A_244 = arith.constant 32 : index
        %get3A_245 = tpu.vector_load %arg9[%get3A_243, %get3A_244] {strides = array<i32>} : memref<104x128xf32, #tpu.memory_space<vmem>>, vector<1x16xf32>,
        %get3A_246 = vector.shape_cast %get3A_245 : vector<1x16xf32> to vector<16xf32>
        %add3A_247 = arith.addf %scan3A_228, %get3A_246 : vector<16xf32>
        %get3A_248 = arith.index_cast %scan3A_225 : i32 to index
        %get3A_249 = arith.constant 48 : index
        %get3A_250 = tpu.vector_load %arg9[%get3A_248, %get3A_249] {strides = array<i32>} : memref<104x128xf32, #tpu.memory_space<vmem>>, vector<1x16xf32>,
        %get3A_251 = vector.shape_cast %get3A_250 : vector<1x16xf32> to vector<16xf32>
        %add3A_252 = arith.addf %scan3A_229, %get3A_251 : vector<16xf32>
        %get3A_253 = arith.index_cast %scan3A_225 : i32 to index
        %get3A_254 = arith.constant 64 : index
        %get3A_255 = tpu.vector_load %arg9[%get3A_253, %get3A_254] {strides = array<i32>} : memref<104x128xf32, #tpu.memory_space<vmem>>, vector<1x16xf32>,
        %get3A_256 = vector.shape_cast %get3A_255 : vector<1x16xf32> to vector<16xf32>
        %add3A_257 = arith.addf %scan3A_230, %get3A_256 : vector<16xf32>
        %get3A_258 = arith.index_cast %scan3A_225 : i32 to index
        %get3A_259 = arith.constant 80 : index
        %get3A_260 = tpu.vector_load %arg9[%get3A_258, %get3A_259] {strides = array<i32>} : memref<104x128xf32, #tpu.memory_space<vmem>>, vector<1x16xf32>,
        %get3A_261 = vector.shape_cast %get3A_260 : vector<1x16xf32> to vector<16xf32>
        %add3A_262 = arith.addf %scan3A_231, %get3A_261 : vector<16xf32>
        %get3A_263 = arith.index_cast %scan3A_225 : i32 to index
        %get3A_264 = arith.constant 96 : index
        %get3A_265 = tpu.vector_load %arg9[%get3A_263, %get3A_264] {strides = array<i32>} : memref<104x128xf32, #tpu.memory_space<vmem>>, vector<1x16xf32>,
        %get3A_266 = vector.shape_cast %get3A_265 : vector<1x16xf32> to vector<16xf32>
        %add3A_267 = arith.addf %scan3A_232, %get3A_266 : vector<16xf32>
        %get3A_268 = arith.index_cast %scan3A_225 : i32 to index
        %get3A_269 = arith.constant 112 : index
        %get3A_270 = tpu.vector_load %arg9[%get3A_268, %get3A_269] {strides = array<i32>} : memref<104x128xf32, #tpu.memory_space<vmem>>, vector<1x16xf32>,
        %get3A_271 = vector.shape_cast %get3A_270 : vector<1x16xf32> to vector<16xf32>
        %add3A_272 = arith.addf %scan3A_233, %get3A_271 : vector<16xf32>
        scf.yield %add3A_237, %add3A_242, %add3A_247, %add3A_252, %add3A_257, %add3A_262, %add3A_267, %add3A_272 : vector<16xf32>, vector<16xf32>, vector<16xf32>, vector<16xf32>, vector<16xf32>, vector<16xf32>, vector<16xf32>, vector<16xf32>
      }
      %scan3A_177 = arith.constant 104 : i32
      %add3A_178 = arith.constant 4 : i32
      %add3A_179 = arith.addi %add3A_165, %add3A_178 : i32
      %lt3A_180 = arith.constant 256 : i32
      %lt3A_181 = arith.cmpi slt, %add3A_179, %lt3A_180 : i32
      %convert_element_type3A_182 = arith.extui %lt3A_181 : i1 to i32
      %cond3A_183 = arith.constant 0 : i32
      %cond3A_184 = arith.cmpi ne, %convert_element_type3A_182, %cond3A_183 : i32
      scf.if %cond3A_184 {
        %add3A_225 = arith.constant 4 : i32
        %add3A_226 = arith.addi %add3A_165, %add3A_225 : i32
        %dma_start3A_227 = arith.constant 0 : i32
        %dma_start3A_228 = tpu.memref_slice %arg5[%add3A_226, %dma_start3A_227] : memref<256x104xi32, #tpu.memory_space<vmem>> -> memref<1x104xi32, #tpu.memory_space<vmem>>
        %dma_start3A_229 = tpu.memref_squeeze %dma_start3A_228 : memref<1x104xi32, #tpu.memory_space<vmem>> -> memref<104xi32, #tpu.memory_space<vmem>>
        %dma_start3A_230 = arith.constant 0 : i32
        %dma_start3A_231 = arith.constant 0 : i32
        %dma_start3A_232 = tpu.memref_slice %arg3[%dma_start3A_230, %dma_start3A_231] : memref<100000x128xf32, #tpu.memory_space<hbm>> -> memref<100000x128xf32, #tpu.memory_space<hbm>>
        tpu.enqueue_indirect_dma source(%dma_start3A_232 : memref<100000x128xf32, #tpu.memory_space<hbm>>) target(%arg9 : memref<104x128xf32, #tpu.memory_space<vmem>>) offsets(%dma_start3A_229 : memref<104xi32, #tpu.memory_space<vmem>>) semaphore(%arg11 : memref<!tpu.dma_semaphore, #tpu.memory_space<semaphore_mem>>)
      } else {
      }
      %swap3A_185 = arith.index_cast %add3A_142 : i32 to index
      %swap3A_186 = arith.constant 0 : index
      %swap3A_187 = tpu.vector_load %arg10[%swap3A_185, %swap3A_186] {strides = array<i32>} : memref<128x128xf32, #tpu.memory_space<vmem>>, vector<1x16xf32>,
      %swap3A_188 = vector.shape_cast %swap3A_187 : vector<1x16xf32> to vector<16xf32>
      %swap3A_189 = vector.shape_cast %scan3A_176#0 : vector<16xf32> to vector<1x16xf32>
      tpu.vector_store %arg10[%swap3A_185, %swap3A_186], %swap3A_189 {strides = array<i32>} : memref<128x128xf32, #tpu.memory_space<vmem>>, vector<1x16xf32>,
      %swap3A_190 = arith.index_cast %add3A_142 : i32 to index
      %swap3A_191 = arith.constant 16 : index
      %swap3A_192 = tpu.vector_load %arg10[%swap3A_190, %swap3A_191] {strides = array<i32>} : memref<128x128xf32, #tpu.memory_space<vmem>>, vector<1x16xf32>,
      %swap3A_193 = vector.shape_cast %swap3A_192 : vector<1x16xf32> to vector<16xf32>
      %swap3A_194 = vector.shape_cast %scan3A_176#1 : vector<16xf32> to vector<1x16xf32>
      tpu.vector_store %arg10[%swap3A_190, %swap3A_191], %swap3A_194 {strides = array<i32>} : memref<128x128xf32, #tpu.memory_space<vmem>>, vector<1x16xf32>,
      %swap3A_195 = arith.index_cast %add3A_142 : i32 to index
      %swap3A_196 = arith.constant 32 : index
      %swap3A_197 = tpu.vector_load %arg10[%swap3A_195, %swap3A_196] {strides = array<i32>} : memref<128x128xf32, #tpu.memory_space<vmem>>, vector<1x16xf32>,
      %swap3A_198 = vector.shape_cast %swap3A_197 : vector<1x16xf32> to vector<16xf32>
      %swap3A_199 = vector.shape_cast %scan3A_176#2 : vector<16xf32> to vector<1x16xf32>
      tpu.vector_store %arg10[%swap3A_195, %swap3A_196], %swap3A_199 {strides = array<i32>} : memref<128x128xf32, #tpu.memory_space<vmem>>, vector<1x16xf32>,
      %swap3A_200 = arith.index_cast %add3A_142 : i32 to index
      %swap3A_201 = arith.constant 48 : index
      %swap3A_202 = tpu.vector_load %arg10[%swap3A_200, %swap3A_201] {strides = array<i32>} : memref<128x128xf32, #tpu.memory_space<vmem>>, vector<1x16xf32>,
      %swap3A_203 = vector.shape_cast %swap3A_202 : vector<1x16xf32> to vector<16xf32>
      %swap3A_204 = vector.shape_cast %scan3A_176#3 : vector<16xf32> to vector<1x16xf32>
      tpu.vector_store %arg10[%swap3A_200, %swap3A_201], %swap3A_204 {strides = array<i32>} : memref<128x128xf32, #tpu.memory_space<vmem>>, vector<1x16xf32>,
      %swap3A_205 = arith.index_cast %add3A_142 : i32 to index
      %swap3A_206 = arith.constant 64 : index
      %swap3A_207 = tpu.vector_load %arg10[%swap3A_205, %swap3A_206] {strides = array<i32>} : memref<128x128xf32, #tpu.memory_space<vmem>>, vector<1x16xf32>,
      %swap3A_208 = vector.shape_cast %swap3A_207 : vector<1x16xf32> to vector<16xf32>
      %swap3A_209 = vector.shape_cast %scan3A_176#4 : vector<16xf32> to vector<1x16xf32>
      tpu.vector_store %arg10[%swap3A_205, %swap3A_206], %swap3A_209 {strides = array<i32>} : memref<128x128xf32, #tpu.memory_space<vmem>>, vector<1x16xf32>,
      %swap3A_210 = arith.index_cast %add3A_142 : i32 to index
      %swap3A_211 = arith.constant 80 : index
      %swap3A_212 = tpu.vector_load %arg10[%swap3A_210, %swap3A_211] {strides = array<i32>} : memref<128x128xf32, #tpu.memory_space<vmem>>, vector<1x16xf32>,
      %swap3A_213 = vector.shape_cast %swap3A_212 : vector<1x16xf32> to vector<16xf32>
      %swap3A_214 = vector.shape_cast %scan3A_176#5 : vector<16xf32> to vector<1x16xf32>
      tpu.vector_store %arg10[%swap3A_210, %swap3A_211], %swap3A_214 {strides = array<i32>} : memref<128x128xf32, #tpu.memory_space<vmem>>, vector<1x16xf32>,
      %swap3A_215 = arith.index_cast %add3A_142 : i32 to index
      %swap3A_216 = arith.constant 96 : index
      %swap3A_217 = tpu.vector_load %arg10[%swap3A_215, %swap3A_216] {strides = array<i32>} : memref<128x128xf32, #tpu.memory_space<vmem>>, vector<1x16xf32>,
      %swap3A_218 = vector.shape_cast %swap3A_217 : vector<1x16xf32> to vector<16xf32>
      %swap3A_219 = vector.shape_cast %scan3A_176#6 : vector<16xf32> to vector<1x16xf32>
      tpu.vector_store %arg10[%swap3A_215, %swap3A_216], %swap3A_219 {strides = array<i32>} : memref<128x128xf32, #tpu.memory_space<vmem>>, vector<1x16xf32>,
      %swap3A_220 = arith.index_cast %add3A_142 : i32 to index
      %swap3A_221 = arith.constant 112 : index
      %swap3A_222 = tpu.vector_load %arg10[%swap3A_220, %swap3A_221] {strides = array<i32>} : memref<128x128xf32, #tpu.memory_space<vmem>>, vector<1x16xf32>,
      %swap3A_223 = vector.shape_cast %swap3A_222 : vector<1x16xf32> to vector<16xf32>
      %swap3A_224 = vector.shape_cast %scan3A_176#7 : vector<16xf32> to vector<1x16xf32>
      tpu.vector_store %arg10[%swap3A_220, %swap3A_221], %swap3A_224 {strides = array<i32>} : memref<128x128xf32, #tpu.memory_space<vmem>>, vector<1x16xf32>,
    }
    %scan3A_49 = arith.constant 64 : i32
    %mul3A_50 = arith.constant 2048 : i32
    %mul3A_51 = arith.muli %arg0, %mul3A_50 : i32
    %mul3A_52 = arith.constant 128 : i32
    %mul3A_53 = arith.muli %arg1, %mul3A_52 : i32
    %add3A_54 = arith.addi %mul3A_51, %mul3A_53 : i32
    "tpu.region"() ({
      %run_scoped3A = tpu.sem_alloc : memref<!tpu.dma_semaphore, #tpu.memory_space<semaphore_mem>>
      %dma_start3A_55 = arith.constant 0 : i32
      %dma_start3A_56 = tpu.memref_slice %arg4[%add3A_54, %dma_start3A_55] : memref<4096x128xf32, #tpu.memory_space<hbm>> -> memref<128x128xf32, #tpu.memory_space<hbm>>
      %dma_start3A_57 = arith.constant 0 : i32
      %dma_start3A_58 = tpu.memref_slice %arg4[%add3A_54, %dma_start3A_57] : memref<4096x128xf32, #tpu.memory_space<hbm>> -> memref<128x128xf32, #tpu.memory_space<hbm>>
      tpu.enqueue_dma source(%arg10 : memref<128x128xf32, #tpu.memory_space<vmem>>) target(%dma_start3A_58 : memref<128x128xf32, #tpu.memory_space<hbm>>) target_semaphore(%run_scoped3A : memref<!tpu.dma_semaphore, #tpu.memory_space<semaphore_mem>>)
      %dma_wait3A = arith.constant 0 : i32
      %dma_wait3A_59 = tpu.memref_slice %arg4[%add3A_54, %dma_wait3A] : memref<4096x128xf32, #tpu.memory_space<hbm>> -> memref<128x128xf32, #tpu.memory_space<hbm>>
      %dma_wait3A_60 = arith.constant 0 : i32
      %dma_wait3A_61 = tpu.memref_slice %arg4[%add3A_54, %dma_wait3A_60] : memref<4096x128xf32, #tpu.memory_space<hbm>> -> memref<128x128xf32, #tpu.memory_space<hbm>>
      tpu.wait_dma2 semaphore(%run_scoped3A : memref<!tpu.dma_semaphore, #tpu.memory_space<semaphore_mem>>) src(%arg10 : memref<128x128xf32, #tpu.memory_space<vmem>>) dst(%dma_wait3A_61 : memref<128x128xf32, #tpu.memory_space<hbm>>)
      tpu.yield
    }) : () -> ()
    return
  }
}

</mosaic_0001>

<sc_bundles>
// kernel: _sc_pool.3.cloned.1.call-start
scs
__scs_entry_jumppad:
0x0: {  	(pc) =	sbr.rel $0x88, $3  }
0x1: {  	(tag) =	ssettag $0x0;
	lr =	simm.s32 $0x1  }
0x2: {  	[smem:$0x3F9F] =	sst lr;
	_ =	strace $0xD0000000  }
0x3: {  	_ = 	snop  }
0x4: {  	_ = 	snop  }
0x5: {  	_ = 	snop  }
0x6: {  	_ = 	snop  }
0x7: {  	_ = 	snop  }
__scs_overlays_trampoline_lowered:
0x8: {  	[smem:$0x3FAE] =	sst s0  }
0x9: {  	[smem:$0x3FAF] =	sst s1  }
0xa: {  	[smem:$0x3FB0] =	sst s2  }
0xb: {  	[smem:$0x3FB1] =	sst s3  }
0xc: {  	[smem:$0x3FB2] =	sst s4  }
0xd: {  	[smem:$0x3FB3] =	sst s5  }
0xe: {  	[smem:$0x3FB4] =	sst s6  }
0xf: {  	[smem:$0x3FB5] =	sst s7  }
0x10: {  	[smem:$0x3FB6] =	sst s8  }
0x11: {  	[smem:$0x3FB7] =	sst s9;
	s0 =	simm.s32 @!p0 $0x0  }
0x12: {  	s1 =	sld [smem:$0x3F9D];
	s0 =	simm.s32 @p0 $0x1  }
0x13: {  	[smem:$0x3FB8] =	sst s0;
	s0 =	simm.s32 @!p1 $0x0  }
0x14: {  	s2 =	sld [smem:$0x3F9C];
	s0 =	simm.s32 @p1 $0x1  }
0x15: {  	[smem:$0x3FB9] =	sst s0;
	s0 =	simm.s32 @!p2 $0x0  }
0x16: {  	s3 =	sld [smem:$0x3FDB];
	s0 =	simm.s32 @p2 $0x1  }
0x17: {  	s4 =	simm.s32 $0x1BF5;
	[smem:$0x3FBB] =	sst s0  }
0x18: {  	s0 =	sld [smem:$0x3F9E];
	_ =	swait.ge [sflag:s4], $0x0  }
0x19: {  	s7 =	sld [smem:$0x3F9F]  }
0x1a: {  	s8 =	sadd.s32 $0xFFFFE003, lr  }
0x1b: {  	s9 =	sadd.s32 $0xFFFFFEF7, lr;
	s5 =	simm.s32 $0xFFFFFFFF;
	p2 =	slt.u32 s8, $0xFFFFF086  }
0x1c: {  	p1 =	slt.u32 s9, $0xF7A;
	s5 =	simm.s32 @!p2 $0x0  }
0x1d: {  	s5 =	simm.s32 @p1 $0x1;
	p0 =	seq.s32 s7, s2  }
0x1e: {  	s7 =	smul.u32 @!p0 $0xF7A, s2;
	p2 =	seq.s32 @!p0 s5, $0x0  }
0x1f: {  	s9 =	smul.u32 $0xF7A, s1;
	s8 =	simm.s32 @!p0 $0x1BF5;
	p2 =	por !p2, p0  }
0x20: {  	[sflag:s8] =	ssyncset.s32 @!p0 $0xFFFFF086;
	s6 =	sadd.s32 @!p0 s3, s7;
	s7 =	simm.s32 @!p0 $0x108  }
0x21: {  	s3 =	sadd.s32 s3, s9;
	s6 =	sadd.s32 @!p0 $0x88, s6;
	s7 =	simm.s32 @p2 $0x1082  }
0x22: {  	[simem:s7], [sflag:s8] =	dma.local @!p0 [hbm:s6], $0xF7A  }
0x23: {  	s9 =	sor.u32 $0xD0000000, s2;
	s6 =	simm.s32 $0x108;
	_ =	swait.ge @!p0 [sflag:s8], $0x0  }
0x24: {  	s3 =	sadd.s32 $0x88, s3;
	s6 =	simm.s32 @!p1 $0x1082;
	[sflag:s4] =	ssyncset.s32 $0xFFFFF086  }
0x25: {  	[simem:s6], [sflag:s4] =	dma.local [hbm:s3], $0xF7A  }
0x26: {  	[smem:$0x3F9F] =	sst s1;
	(tag) =	ssettag s2;
	_ =	strace s9  }
0x27: {  	s1 =	sld [smem:$0x3FAF]  }
0x28: {  	s2 =	sld [smem:$0x3FB0]  }
0x29: {  	s4 =	sld [smem:$0x3FB2]  }
0x2a: {  	p0 =	seq.s32 s5, $0x0;
	s5 =	sld [smem:$0x3FB3]  }
0x2b: {  	s6 =	sld [smem:$0x3FB4]  }
0x2c: {  	s7 =	sld [smem:$0x3FB5]  }
0x2d: {  	s3 =	simm.s32 $0x108;
	s8 =	sld [smem:$0x3FB6]  }
0x2e: {  	s3 =	simm.s32 @!p0 $0x1082;
	s9 =	sld [smem:$0x3FB7]  }
0x2f: {  	lr =	sadd.s32 s0, s3;
	s0 =	sld [smem:$0x3FAE]  }
0x30: {  	s3 =	sld [smem:$0x3FB1]  }
0x31: {  	[smem:$0x3FBA] =	sst s10  }
0x32: {  	s10 =	sld [smem:$0x3FB8];
	_ =	sdelay $0x3  }
0x33: {  	p0 =	seq.s32 s10, $0x1;
	s10 =	sld [smem:$0x3FBA];
	_ =	sdelay $0x3  }
0x34: {  	[smem:$0x3FBA] =	sst s10  }
0x35: {  	s10 =	sld [smem:$0x3FB9];
	_ =	sdelay $0x3  }
0x36: {  	p1 =	seq.s32 s10, $0x1;
	s10 =	sld [smem:$0x3FBA];
	_ =	sdelay $0x3  }
0x37: {  	[smem:$0x3FBA] =	sst s10  }
0x38: {  	s10 =	sld [smem:$0x3FBB]  }
0x39: {  	_ = 	snop;
	(pc) =	sbr.ind lr, $3  }
0x3a: {  	_ = 	snop  }
0x3b: {  	_ = 	snop  }
0x3c: {  	p2 =	seq.s32 s10, $0x1;
	s10 =	sld [smem:$0x3FBA]  }
0x3d: {  	_ =	shalt  }
0x3e: {  	_ =	shalt  }
0x3f: {  	_ =	shalt  }
0x40: {  	_ =	shalt  }
0x41: {  	_ =	shalt  }
0x42: {  	_ =	shalt  }
0x43: {  	_ =	shalt  }
0x44: {  	_ =	shalt  }
0x45: {  	_ =	shalt  }
0x46: {  	_ =	shalt  }
0x47: {  	_ =	shalt  }
0x48: {  	_ =	shalt  }
0x49: {  	_ =	shalt  }
0x4a: {  	_ =	shalt  }
0x4b: {  	_ =	shalt  }
0x4c: {  	_ =	shalt  }
0x4d: {  	_ =	shalt  }
0x4e: {  	_ =	shalt  }
0x4f: {  	_ =	shalt  }
0x50: {  	_ =	shalt  }
0x51: {  	_ =	shalt  }
0x52: {  	_ =	shalt  }
0x53: {  	_ =	shalt  }
0x54: {  	_ =	shalt  }
0x55: {  	_ =	shalt  }
0x56: {  	_ =	shalt  }
0x57: {  	_ =	shalt  }
0x58: {  	_ =	shalt  }
0x59: {  	_ =	shalt  }
0x5a: {  	_ =	shalt  }
0x5b: {  	_ =	shalt  }
0x5c: {  	_ =	shalt  }
0x5d: {  	_ =	shalt  }
0x5e: {  	_ =	shalt  }
0x5f: {  	_ =	shalt  }
0x60: {  	_ =	shalt  }
0x61: {  	_ =	shalt  }
0x62: {  	_ =	shalt  }
0x63: {  	_ =	shalt  }
0x64: {  	_ =	shalt  }
0x65: {  	_ =	shalt  }
0x66: {  	_ =	shalt  }
0x67: {  	_ =	shalt  }
0x68: {  	_ =	shalt  }
0x69: {  	_ =	shalt  }
0x6a: {  	_ =	shalt  }
0x6b: {  	_ =	shalt  }
0x6c: {  	_ =	shalt  }
0x6d: {  	_ =	shalt  }
0x6e: {  	_ =	shalt  }
0x6f: {  	_ =	shalt  }
0x70: {  	_ =	shalt  }
0x71: {  	_ =	shalt  }
0x72: {  	_ =	shalt  }
0x73: {  	_ =	shalt  }
0x74: {  	_ =	shalt  }
0x75: {  	_ =	shalt  }
0x76: {  	_ =	shalt  }
0x77: {  	_ =	shalt  }
0x78: {  	_ =	shalt  }
0x79: {  	_ =	shalt  }
0x7a: {  	_ =	shalt  }
0x7b: {  	_ =	shalt  }
0x7c: {  	_ =	shalt  }
0x7d: {  	_ =	shalt  }
0x7e: {  	_ =	shalt  }
0x7f: {  	_ =	shalt  }
0x80: {  	_ =	shalt  }
0x81: {  	_ =	shalt  }
0x82: {  	_ =	shalt  }
0x83: {  	_ =	shalt  }
0x84: {  	_ =	shalt  }
0x85: {  	_ =	shalt  }
0x86: {  	_ =	shalt  }
0x87: {  	_ =	shalt  }
.Lfunc_end0:
.L_simem_size_0:
called_computation_lowered:
.L_overlay_start_0:
0x88: {  	s2 =	sld [smem:$0x3FD9]  }
0x89: {  	s3 =	sld [smem:$0x3FFE];
	_ =	sdelay $0x1  }
0x8a: {  	s1 =	srdreg.scid  }
0x8b: {  	s0 =	sand.u32 $0x1, s1  }
0x8c: {  	s17 =	sshll.u32 s0, $0xA;
	s2 =	sadd.s32 s3, s2  }
0x8d: {  	s2 =	sadd.s32 s2, s17  }
0x8e: {  	[smem:$0x3FC6] =	sst s2  }
0x8f: {  	_ = 	snop  }
0x90: {  	s2 =	sld [smem:$0x3FC8]  }
0x91: {  	s18 =	sld [smem:$0x3FD0];
	(tm) =	ssettm $0x1  }
0x92: {  	s4 =	sld [smem:$0x3FFB];
	_ =	sdelay $0x3  }
0x93: {  	_ =	strace s4  }
0x94: {  	s4 =	sld [smem:$0x3FFC];
	_ =	sdelay $0x3  }
0x95: {  	_ =	strace s4  }
0x96: {  	s4 =	sld [smem:$0x3FFD];
	_ =	sdelay $0x3  }
0x97: {  	_ =	strace s4  }
0x98: {  	_ =	strace $0x8FFFFFFF  }
0x99: {  	s19 =	sld [smem:$0x3FDB];
	_ =	sdelay $0x1  }
0x9a: {  	s5 =	simm.s32 $_scs_section_size  }
0x9b: {  	s6 =	simm.s32 $_size__tile_overlayer_lowered;
	s7 =	simm.s32 $_tile_overlayer_lowered  }
0x9c: {  	s22 =	simm.s32 $0x1BFF;
	s21 =	sshll.u32 s7, $0x1;
	s4 =	sadd.s32 s5, s19  }
0x9d: {  	s8 =	simm.s32 $0x0;
	s20 =	sshll.u32 s6, $0x1;
	s6 =	sadd.s32 s21, s4  }
0x9e: {  	[timem:s8], [sflag:s22] =	dma.local [hbm:s6], s20  }
0x9f: {  	_ =	swait.ge [sflag:s22], s20  }
0xa0: {  	s5 =	ssub.s32 $0x0, s20;
	[sflag:s22] =	ssyncset.done $0x0  }
0xa1: {  	[sflag:s22] =	ssyncadd.s32 s5;
	_ =	sdelay $0x1  }
0xa2: {  	s23 =	simm.s32 $0x1B8B  }
0xa3: {  	_ =	swait.ge [sflag:s23], $0x1  }
0xa4: {  	[sflag:s23] =	ssyncset.done $0x0  }
0xa5: {  	s25 =	simm.s32 $0x1B8E;
	s24 =	sld [smem:$0x3FFE];
	[sflag:s23] =	ssyncadd.s32 $0xFFFFFFFF  }
0xa6: {  	s26 =	simm.s32 $execute0_lowered;
	[smem:$0x3FD2] =	sst s25  }
0xa7: {  	s6 =	sshll.u32 s26, $0x1;
	_ =	strace $0x80000046;
	[dreg:$0x1] =	wrdreg $0xFFFFFFFF  }
0xa8: {  	s28 =	simm.s32 $_size_execute0_lowered;
	s4 =	sadd.s32 s4, s6;
	[dreg:$0x0] =	wrdreg $0x0  }
0xa9: {  	s6 =	sshll.u32 s28, $0x1;
	[dreg:$0x2] =	wrdreg s4  }
0xaa: {  	[dreg:$0x3] =	wrdreg s6  }
0xab: {  	[dreg:$0x4] =	wrdreg $0xC0  }
0xac: {  	_ =	task [dreg:s8], $0x5FFFF  }
0xad: {  	[dreg:$0x1] =	wrdreg $0xFFFFFFFF  }
0xae: {  	[dreg:$0x0] =	wrdreg $0x60  }
0xaf: {  	[dreg:$0x2] =	wrdreg s24  }
0xb0: {  	[dreg:$0x3] =	wrdreg s2  }
0xb1: {  	[dreg:$0x4] =	wrdreg s18  }
0xb2: {  	[dreg:$0x5] =	wrdreg $0x9  }
0xb3: {  	_ =	task.clear_ibuf [dreg:s8], $0x6FFFF;
	_ =	strace $0x90000046  }
0xb4: {  	s29 =	simm.s32 $0x9;
	_ =	strace $0x80000048  }
0xb5: {  	_ =	swait.ge [sflag:s29], $0x1  }
0xb6: {  	[sflag:s29] =	ssyncadd.s32 $0xFFFFFFFF  }
0xb7: {  	_ =	strace $0x90000048  }
0xb8: {  	_ =	sfence  }
0xb9: {  	s30 =	sld [smem:$0x0];
	_ =	sdelay $0x2  }
0xba: {  	s31 =	sshll.u32 s1, $0xD;
	s1 =	sshrl.u32 s1, $0x2  }
0xbb: {  	s3 =	sand.u32 $0x4000, s31;
	s1 =	sadd.s32 s1, s30  }
0xbc: {  	s0 =	sor.u32 s3, s0;
	s1 =	sshll.u32 s1, $0x11  }
0xbd: {  	s0 =	sor.u32 s1, s0  }
0xbe: {  	s0 =	sadd.s32 $0x8F2B, s0  }
0xbf: {  	[sflag:s0] =	ssyncadd.remote.s32 $0x1  }
0xc0: {  	_ =	sfence.sel $0xFFFF  }
0xc1: {  	[dreg:$0x0] =	wrdreg $0xFFFFFFFF;
	(pc) =	sbr.abs _section_cstart, $3  }
0xc2: {  	[dreg:$0x1] =	wrdreg $0xFFFFFFFF  }
0xc3: {  	_ =	task.clear_ibuf [dreg:s8], $0x2FFFF;
	_ =	strace $0x9FFFFFFF  }
0xc4: {  	(tm) =	ssettm $0x7FFFFFFF  }
0xc5: {  	_ =	shalt  }
tec
execute0_lowered:
.L_overlay_start_1:
0x0: {  	(tag) =	ssettag $0x1  }
0x1: {  	s4 =	rddreg [dreg:$0x0]  }
0x2: {  	s1 =	rddreg [dreg:$0x1]  }
0x3: {  	s5 =	rddreg [dreg:$0x2]  }
0x4: {  	s0 =	rddreg [dreg:$0x3];
	s6 =	srdreg.scid  }
0x5: {  	s3 =	simm.s32 $0x0;
	s2 =	stileid.u32;
	s10 =	simm.s32 $0x80  }
0x6: {  	s11 =	simm.s32 $0xB400;
	s12 =	simm.s32 $0x100;
	s13 =	simm.s32 $0xE800  }
0x7: {  	s14 =	simm.s32 $0x180;
	s15 =	simm.s32 $0x11C00;
	s16 =	simm.s32 $0x1  }
0x8: {  	s17 =	simm.s32 $0x15000;
	s18 =	simm.s32 $0x0;
	s6 =	sand.u32 $0x1, s6  }
0x9: {  	[smem:$0x7FF] =	sst s3;
	s7 =	sshll.u32 s2, $0xC;
	s9 =	sshll.u32 s2, $0xB  }
0xa: {  	s8 =	ssub.s32 $0x2, s6;
	_ =	strace $0x80000047;
	s4 =	sadd.s32 s7, s4  }
0xb: {  	s31 =	sshll.u32 s6, $0x10;
	s6 =	sshll.u32 s6, $0xF;
	s5 =	sadd.s32 s5, s9  }
0xc: {  	s9 =	simm.s32 $0x8000;
	s30 =	sshrl.u32 s8, $0x1;
	s4 =	sadd.s32 s31, s4  }
0xd: {  	s5 =	sadd.s32 s6, s5;
	s7 =	ssub.s32 s8, s30;
	s4 =	sadd.s32 $0x400, s4  }
0xe: {  	s8 =	simm.s32 $0x68;
	s6 =	smax.u32 s7, $0x1;
	s7 =	simm.s32 $0x2  }
.LBB2_1:
0xf: {  	[tilespmem:s3], [sflag:$0x2] =	stream.linear.gather [hbm4b:s4+s3], $0x8000, $0x38;
	[tilespmem:$0x19000] =	vst v63  }
0x10: {  	_ =	swait.ge [sflag:s7], $0x8000  }
0x11: {  	[sflag:s7] =	ssyncset.done $0x0  }
0x12: {  	[sflag:s7] =	ssyncadd.s32 $0xFFFF8000  }
0x13: {  	[tilespmem:s9], [sflag:$0x1] =	stream.indirect.gather [hbm4b:s1+s8], $0x80, s3, s8, $0xb8;
	[tilespmem:$0x19000] =	vst v63  }
0x14: {  	_ = 	snop  }
0x15: {  	[tilespmem:s11], [sflag:$0x1] =	stream.indirect.gather [hbm4b:s1+s8], $0x80, s10, s8, $0xb8;
	[tilespmem:$0x19000] =	vst v63  }
0x16: {  	_ = 	snop  }
0x17: {  	[tilespmem:s13], [sflag:$0x1] =	stream.indirect.gather [hbm4b:s1+s8], $0x80, s12, s8, $0xb8;
	[tilespmem:$0x19000] =	vst v63  }
0x18: {  	s19 =	simm.s32 $0x0  }
0x19: {  	[tilespmem:s15], [sflag:$0x1] =	stream.indirect.gather [hbm4b:s1+s8], $0x80, s14, s8, $0xb8;
	[tilespmem:$0x19000] =	vst v63  }
.LBB2_2:
0x1a: {  	_ =	swait.ge [sflag:s16], $0x3400  }
0x1b: {  	[sflag:s16] =	ssyncset.done $0x0  }
0x1c: {  	s22 =	simm.s32 $0x0;
	[sflag:s16] =	ssyncadd.s32 $0xFFFFCC00  }
0x1d: {  	v0 =	vld [tilespmem:s22+$0x8070]  }
0x1e: {  	v2 =	vld [tilespmem:s22+$0x8000]  }
0x1f: {  	v4 =	vld [tilespmem:s22+$0x8010]  }
0x20: {  	v5 =	vld [tilespmem:s22+$0x8020]  }
0x21: {  	v8 =	vld [tilespmem:s22+$0x8030]  }
0x22: {  	v3 =	vimm.f32 $0.0e+00;
	v9 =	vimm.f32 $0.0e+00;
	v6 =	vld [tilespmem:s22+$0x8040]  }
0x23: {  	v10 =	vimm.f32 $0.0e+00;
	v7 =	vimm.f32 $0.0e+00;
	v11 =	vld [tilespmem:s22+$0x8050];
	v1 =	vadd.f32 v0, v3  }
0x24: {  	s21 =	simm.s32 $0x80;
	s20 =	simm.s32 $0x400;
	v12 =	vld [tilespmem:s22+$0x8060];
	v0 =	vadd.f32 v2, v3;
	v2 =	vadd.f32 v4, v3;
	v4 =	vimm.f32 $0.0e+00  }
.LBB2_3:
0x25: {  	p0 =	sne.s32 s20, $0xCE00;
	v13 =	vld [tilespmem:s21+$0x8070];
	v3 =	vadd.f32 v5, v3  }
0x26: {  	v14 =	vld [tilespmem:s21+$0x8000];
	v4 =	vadd.f32 v8, v4  }
0x27: {  	v15 =	vld [tilespmem:s21+$0x8010];
	v9 =	vadd.f32 v6, v9  }
.Ltmp0:
0x28: {  	v5 =	vld [tilespmem:s21+$0x8020];
	v10 =	vadd.f32 v11, v10;
	(pc) =	sbr.rel @p0 .LBB2_3-.Ltmp0, $4  }
0x29: {  	v8 =	vld [tilespmem:s21+$0x8030];
	v7 =	vadd.f32 v12, v7  }
0x2a: {  	v6 =	vld [tilespmem:s21+$0x8040];
	v1 =	vadd.f32 v13, v1  }
0x2b: {  	v0 =	vadd.f32 v14, v0;
	v11 =	vld [tilespmem:s21+$0x8050]  }
0x2c: {  	v2 =	vadd.f32 v15, v2;
	v12 =	vld [tilespmem:s21+$0x8060];
	s21 =	sshra.s32 s20, $0x2;
	s20 =	sadd.s32 $0x200, s20  }
0x2d: {  	v13 =	vld [tilespmem:s21+$0x8070]  }
0x2e: {  	v14 =	vld [tilespmem:s21+$0x8000]  }
0x2f: {  	v15 =	vld [tilespmem:s21+$0x8010]  }
0x30: {  	v16 =	vld [tilespmem:s21+$0x8020]  }
0x31: {  	v17 =	vld [tilespmem:s21+$0x8030]  }
0x32: {  	v18 =	vld [tilespmem:s21+$0x8040];
	s20 =	sshll.u32 s19, $0xB;
	p0 =	seq.s32 s19, $0x3F  }
0x33: {  	v19 =	vld [tilespmem:s21+$0x8050];
	s20 =	sshrl.u32 @!p0 s20, $0x2  }
0x34: {  	v20 =	vld [tilespmem:s21+$0x8060];
	s22 =	simm.s32 @!p0 $0x68;
	s23 =	simm.s32 @!p0 $0x8000;
	s21 =	sadd.s32 @!p0 $0x200, s20  }
0x35: {  	[tilespmem:s23], [sflag:$0x1] =	stream.indirect.gather @!p0 [hbm4b:s1+s22], $0x80, s21, s22, $0xb8;
	[tilespmem:$0x19000] =	vst v63  }
0x36: {  	_ =	swait.ge [sflag:s16], $0x3400  }
0x37: {  	[sflag:s16] =	ssyncset.done $0x0  }
0x38: {  	s31 =	simm.s32 $0x0;
	[sflag:s16] =	ssyncadd.s32 $0xFFFFCC00  }
0x39: {  	v3 =	vadd.f32 v5, v3;
	v4 =	vadd.f32 v8, v4;
	v21 =	vld [tilespmem:s31+$0xB470]  }
0x3a: {  	v8 =	vadd.f32 v6, v9;
	v9 =	vadd.f32 v11, v10;
	v10 =	vld [tilespmem:s31+$0xB400]  }
0x3b: {  	v11 =	vadd.f32 v12, v7;
	v12 =	vadd.f32 v13, v1;
	v13 =	vld [tilespmem:s31+$0xB410]  }
0x3c: {  	v14 =	vadd.f32 v14, v0;
	v15 =	vadd.f32 v15, v2;
	v6 =	vld [tilespmem:s31+$0xB420]  }
0x3d: {  	v5 =	vadd.f32 v16, v3;
	v4 =	vadd.f32 v17, v4;
	v7 =	vld [tilespmem:s31+$0xB430]  }
0x3e: {  	v3 =	vadd.f32 v18, v8;
	v2 =	vadd.f32 v19, v9;
	v8 =	vld [tilespmem:s31+$0xB440]  }
0x3f: {  	v1 =	vadd.f32 v20, v11;
	v9 =	vld [tilespmem:s31+$0xB450];
	v0 =	vadd.f32 v21, v12  }
0x40: {  	s21 =	simm.s32 $0x80;
	s22 =	simm.s32 $0x400;
	v10 =	vadd.f32 v10, v14;
	v11 =	vadd.f32 v13, v15;
	v12 =	vld [tilespmem:s31+$0xB460]  }
.LBB2_5:
0x41: {  	p1 =	sne.s32 s22, $0xCE00;
	v13 =	vld [tilespmem:s21+$0xB470];
	v5 =	vadd.f32 v6, v5  }
0x42: {  	v14 =	vld [tilespmem:s21+$0xB400];
	v4 =	vadd.f32 v7, v4  }
0x43: {  	v15 =	vld [tilespmem:s21+$0xB410];
	v3 =	vadd.f32 v8, v3  }
.Ltmp1:
0x44: {  	v6 =	vld [tilespmem:s21+$0xB420];
	v2 =	vadd.f32 v9, v2;
	(pc) =	sbr.rel @p1 .LBB2_5-.Ltmp1, $4  }
0x45: {  	v7 =	vld [tilespmem:s21+$0xB430];
	v1 =	vadd.f32 v12, v1  }
0x46: {  	v8 =	vld [tilespmem:s21+$0xB440];
	v0 =	vadd.f32 v13, v0  }
0x47: {  	v10 =	vadd.f32 v14, v10;
	v9 =	vld [tilespmem:s21+$0xB450]  }
0x48: {  	v11 =	vadd.f32 v15, v11;
	v12 =	vld [tilespmem:s21+$0xB460];
	s21 =	sshra.s32 s22, $0x2;
	s22 =	sadd.s32 $0x200, s22  }
0x49: {  	v13 =	vld [tilespmem:s21+$0xB470]  }
0x4a: {  	v14 =	vld [tilespmem:s21+$0xB400]  }
0x4b: {  	v15 =	vld [tilespmem:s21+$0xB410]  }
0x4c: {  	v16 =	vld [tilespmem:s21+$0xB420]  }
0x4d: {  	v17 =	vld [tilespmem:s21+$0xB430]  }
0x4e: {  	v18 =	vld [tilespmem:s21+$0xB440]  }
0x4f: {  	v19 =	vld [tilespmem:s21+$0xB450]  }
0x50: {  	v20 =	vld [tilespmem:s21+$0xB460];
	s21 =	sadd.s32 @!p0 $0x280, s20  }
0x51: {  	s22 =	simm.s32 @!p0 $0x68;
	s23 =	simm.s32 @!p0 $0xB400;
	s31 =	sshll.u32 s19, $0x8  }
0x52: {  	v5 =	vadd.f32 v6, v5;
	[tilespmem:s23], [sflag:$0x1] =	stream.indirect.gather @!p0 [hbm4b:s1+s22], $0x80, s21, s22, $0xb8;
	v6 =	vadd.f32 v14, v10;
	[tilespmem:$0x19000] =	vst v63  }
0x53: {  	v4 =	vadd.f32 v7, v4;
	s21 =	sand.u32 $0x3FFFFF00, s31;
	v7 =	vadd.f32 v15, v11  }
0x54: {  	v3 =	vadd.f32 v8, v3;
	v5 =	vadd.f32 v16, v5;
	[tilespmem:s21+$0x15000] =	vst v6  }
0x55: {  	v2 =	vadd.f32 v9, v2;
	v4 =	vadd.f32 v17, v4;
	[tilespmem:s21+$0x15010] =	vst v7  }
0x56: {  	v3 =	vadd.f32 v18, v3;
	[tilespmem:s21+$0x15020] =	vst v5  }
0x57: {  	v1 =	vadd.f32 v12, v1;
	v2 =	vadd.f32 v19, v2;
	[tilespmem:s21+$0x15030] =	vst v4  }
0x58: {  	v0 =	vadd.f32 v13, v0;
	[tilespmem:s21+$0x15040] =	vst v3  }
0x59: {  	v1 =	vadd.f32 v20, v1;
	[tilespmem:s21+$0x15050] =	vst v2  }
0x5a: {  	[tilespmem:s21+$0x15070] =	vst v0  }
0x5b: {  	[tilespmem:s21+$0x15060] =	vst v1  }
0x5c: {  	_ =	swait.ge [sflag:s16], $0x3400  }
0x5d: {  	[sflag:s16] =	ssyncset.done $0x0  }
0x5e: {  	s24 =	simm.s32 $0x0;
	[sflag:s16] =	ssyncadd.s32 $0xFFFFCC00  }
0x5f: {  	v0 =	vld [tilespmem:s24+$0xE870]  }
0x60: {  	v2 =	vld [tilespmem:s24+$0xE800]  }
0x61: {  	v4 =	vld [tilespmem:s24+$0xE810]  }
0x62: {  	v5 =	vld [tilespmem:s24+$0xE820]  }
0x63: {  	v8 =	vld [tilespmem:s24+$0xE830]  }
0x64: {  	v9 =	vimm.f32 $0.0e+00;
	v3 =	vimm.f32 $0.0e+00;
	v6 =	vld [tilespmem:s24+$0xE840]  }
0x65: {  	v10 =	vimm.f32 $0.0e+00;
	v7 =	vimm.f32 $0.0e+00;
	v11 =	vld [tilespmem:s24+$0xE850];
	v1 =	vadd.f32 v0, v3  }
0x66: {  	s22 =	simm.s32 $0x80;
	s23 =	simm.s32 $0x400;
	v12 =	vld [tilespmem:s24+$0xE860];
	v0 =	vadd.f32 v2, v3;
	v2 =	vadd.f32 v4, v3;
	v4 =	vimm.f32 $0.0e+00  }
.LBB2_7:
0x67: {  	p1 =	sne.s32 s23, $0xCE00;
	v13 =	vld [tilespmem:s22+$0xE870];
	v3 =	vadd.f32 v5, v3  }
0x68: {  	v14 =	vld [tilespmem:s22+$0xE800];
	v4 =	vadd.f32 v8, v4  }
0x69: {  	v15 =	vld [tilespmem:s22+$0xE810];
	v9 =	vadd.f32 v6, v9  }
.Ltmp2:
0x6a: {  	v5 =	vld [tilespmem:s22+$0xE820];
	v10 =	vadd.f32 v11, v10;
	(pc) =	sbr.rel @p1 .LBB2_7-.Ltmp2, $4  }
0x6b: {  	v8 =	vld [tilespmem:s22+$0xE830];
	v7 =	vadd.f32 v12, v7  }
0x6c: {  	v6 =	vld [tilespmem:s22+$0xE840];
	v1 =	vadd.f32 v13, v1  }
0x6d: {  	v0 =	vadd.f32 v14, v0;
	v11 =	vld [tilespmem:s22+$0xE850]  }
0x6e: {  	v2 =	vadd.f32 v15, v2;
	v12 =	vld [tilespmem:s22+$0xE860];
	s22 =	sshra.s32 s23, $0x2;
	s23 =	sadd.s32 $0x200, s23  }
0x6f: {  	v13 =	vld [tilespmem:s22+$0xE870]  }
0x70: {  	v14 =	vld [tilespmem:s22+$0xE800]  }
0x71: {  	v15 =	vld [tilespmem:s22+$0xE810]  }
0x72: {  	v16 =	vld [tilespmem:s22+$0xE820]  }
0x73: {  	v17 =	vld [tilespmem:s22+$0xE830]  }
0x74: {  	v18 =	vld [tilespmem:s22+$0xE840]  }
0x75: {  	v19 =	vld [tilespmem:s22+$0xE850]  }
0x76: {  	v20 =	vld [tilespmem:s22+$0xE860];
	s22 =	sadd.s32 @!p0 $0x300, s20;
	s23 =	simm.s32 @!p0 $0x68;
	s24 =	simm.s32 @!p0 $0xE800  }
0x77: {  	[tilespmem:s24], [sflag:$0x1] =	stream.indirect.gather @!p0 [hbm4b:s1+s23], $0x80, s22, s23, $0xb8;
	[tilespmem:$0x19000] =	vst v63  }
0x78: {  	_ =	swait.ge [sflag:s16], $0x3400  }
0x79: {  	[sflag:s16] =	ssyncset.done $0x0  }
0x7a: {  	s31 =	simm.s32 $0x0;
	[sflag:s16] =	ssyncadd.s32 $0xFFFFCC00  }
0x7b: {  	v3 =	vadd.f32 v5, v3;
	v4 =	vadd.f32 v8, v4;
	v8 =	vld [tilespmem:s31+$0x11C70]  }
0x7c: {  	v9 =	vadd.f32 v6, v9;
	v11 =	vadd.f32 v11, v10;
	v21 =	vld [tilespmem:s31+$0x11C00]  }
0x7d: {  	v12 =	vadd.f32 v12, v7;
	v13 =	vadd.f32 v13, v1;
	v22 =	vld [tilespmem:s31+$0x11C10]  }
0x7e: {  	v14 =	vadd.f32 v14, v0;
	v15 =	vadd.f32 v15, v2;
	v10 =	vld [tilespmem:s31+$0x11C20]  }
0x7f: {  	v5 =	vadd.f32 v16, v3;
	v4 =	vadd.f32 v17, v4;
	v6 =	vld [tilespmem:s31+$0x11C30]  }
0x80: {  	v3 =	vadd.f32 v18, v9;
	v2 =	vadd.f32 v19, v11;
	v7 =	vld [tilespmem:s31+$0x11C40]  }
0x81: {  	v1 =	vadd.f32 v20, v12;
	v0 =	vadd.f32 v8, v13;
	v8 =	vld [tilespmem:s31+$0x11C50]  }
0x82: {  	s22 =	simm.s32 $0x80;
	s23 =	simm.s32 $0x400;
	v11 =	vld [tilespmem:s31+$0x11C60];
	v12 =	vadd.f32 v21, v14;
	v9 =	vadd.f32 v22, v15  }
.LBB2_9:
0x83: {  	p1 =	sne.s32 s23, $0xCE00;
	v13 =	vld [tilespmem:s22+$0x11C70];
	v5 =	vadd.f32 v10, v5  }
0x84: {  	v14 =	vld [tilespmem:s22+$0x11C00];
	v4 =	vadd.f32 v6, v4  }
0x85: {  	v15 =	vld [tilespmem:s22+$0x11C10];
	v3 =	vadd.f32 v7, v3  }
.Ltmp3:
0x86: {  	v10 =	vld [tilespmem:s22+$0x11C20];
	v2 =	vadd.f32 v8, v2;
	(pc) =	sbr.rel @p1 .LBB2_9-.Ltmp3, $4  }
0x87: {  	v6 =	vld [tilespmem:s22+$0x11C30];
	v1 =	vadd.f32 v11, v1  }
0x88: {  	v7 =	vld [tilespmem:s22+$0x11C40];
	v0 =	vadd.f32 v13, v0  }
0x89: {  	v12 =	vadd.f32 v14, v12;
	v8 =	vld [tilespmem:s22+$0x11C50]  }
0x8a: {  	v9 =	vadd.f32 v15, v9;
	v11 =	vld [tilespmem:s22+$0x11C60];
	s22 =	sshra.s32 s23, $0x2;
	s23 =	sadd.s32 $0x200, s23  }
0x8b: {  	v13 =	vld [tilespmem:s22+$0x11C70]  }
0x8c: {  	v14 =	vld [tilespmem:s22+$0x11C00]  }
0x8d: {  	v15 =	vld [tilespmem:s22+$0x11C10]  }
0x8e: {  	v16 =	vld [tilespmem:s22+$0x11C20]  }
0x8f: {  	v17 =	vld [tilespmem:s22+$0x11C30]  }
0x90: {  	v18 =	vld [tilespmem:s22+$0x11C40]  }
0x91: {  	v19 =	vld [tilespmem:s22+$0x11C50]  }
0x92: {  	v5 =	vadd.f32 v10, v5;
	v62 =	vld [tilespmem:s22+$0x11C60];
	s20 =	sadd.s32 @!p0 $0x380, s20;
	s22 =	simm.s32 @!p0 $0x68;
	s23 =	simm.s32 @!p0 $0x11C00;
	v61 =	vadd.f32 v14, v12  }
0x93: {  	v4 =	vadd.f32 v6, v4;
	[tilespmem:s23], [sflag:$0x1] =	stream.indirect.gather @!p0 [hbm4b:s1+s22], $0x80, s20, s22, $0xb8;
	v63 =	vadd.f32 v15, v9;
	[tilespmem:$0x19000] =	vst v63  }
0x94: {  	v3 =	vadd.f32 v7, v3;
	v5 =	vadd.f32 v16, v5;
	[tilespmem:s21+$0x15080] =	vst v61  }
0x95: {  	s19 =	sadd.s32 $0x1, s19;
	v2 =	vadd.f32 v8, v2;
	v4 =	vadd.f32 v17, v4;
	[tilespmem:s21+$0x15090] =	vst v63  }
0x96: {  	p0 =	sne.s32 s19, $0x40;
	v3 =	vadd.f32 v18, v3;
	[tilespmem:s21+$0x150A0] =	vst v5  }
.Ltmp4:
0x97: {  	v1 =	vadd.f32 v11, v1;
	v2 =	vadd.f32 v19, v2;
	[tilespmem:s21+$0x150B0] =	vst v4;
	(pc) =	sbr.rel @p0 .LBB2_2-.Ltmp4, $4  }
0x98: {  	v0 =	vadd.f32 v13, v0;
	[tilespmem:s21+$0x150C0] =	vst v3  }
0x99: {  	v1 =	vadd.f32 v62, v1;
	[tilespmem:s21+$0x150D0] =	vst v2  }
0x9a: {  	[tilespmem:s21+$0x150F0] =	vst v0  }
0x9b: {  	[tilespmem:s21+$0x150E0] =	vst v1  }
0x9c: {  	s18 =	sadd.s32 $0x1, s18  }
0x9d: {  	p0 =	sne.s32 s18, s6  }
.Ltmp5:
0x9e: {  	_ = 	snop;
	(pc) =	sbr.rel @p0 .LBB2_1-.Ltmp5, $4  }
0x9f: {  	[hbm4b:s5+s3] =	stream.linear.scatter [tilespmem:s17], [sflag:$0x2], $0x4000, $0x38;
	[tilespmem:$0x19000] =	vst v63  }
0xa0: {  	_ =	swait.ge [sflag:s7], $0x4000  }
0xa1: {  	[sflag:s7] =	ssyncset.done $0x0  }
0xa2: {  	[sflag:s7] =	ssyncadd.s32 $0xFFFFC000  }
0xa3: {  	_ =	sfence.sel $0x180000  }
0xa4: {  	[bflag:$0x0] =	sbarrier.arrive $0xFFFF  }
0xa5: {  	p0 =	sne.s32 s2, $0x0;
	_ =	strace $0x90000047  }
0xa6: {  	s0 =	sadd.s32 @!p0 $0x100000, s0;
	[bflag:$0x2] =	sbarrier.arrive $0xFFFF  }
0xa7: {  	[sflag:s0] =	ssyncadd.tile.s32 @!p0 $0x1;
	_ =	shalt  }
.Lfunc_end2:
_tile_overlayer_lowered:
.L_overlay_start_2:
0xa8: {  	(tag) =	ssettag $0x2  }
0xa9: {  	s0 =	rddreg [dreg:$0x0];
	s2 =	stileid.u32  }
0xaa: {  	s1 =	rddreg [dreg:$0x1];
	p0 =	sne.s32 s2, $0x0  }
0xab: {  	s3 =	rddreg [dreg:$0x2];
	[bflag:$0x3] =	sbarrier.arrive $0xFFFF;
	s2 =	simm.s32 @!p0 $0x1C02  }
0xac: {  	[timem:s3], [sflag:s2] =	dma.local @!p0 [hbm:s0], s1  }
0xad: {  	s0 =	simm.s32 @!p0 $0x2  }
0xae: {  	_ =	swait.ge @!p0 [sflag:s0], s1  }
0xaf: {  	s1 =	ssub.s32 @!p0 $0x0, s1;
	[sflag:s0] =	ssyncset.done @!p0 $0x0  }
0xb0: {  	[sflag:s0] =	ssyncadd.s32 @!p0 s1  }
0xb1: {  	[bflag:$0x3] =	sbarrier.arrive $0xFFFF  }
0xb2: {  	_ =	shalt  }

</sc_bundles>
